<compile_context>
chip_gen: v7x
topology: tpu7x:2x2x1
jax: 0.10.2.dev20260603
libtpu: 0.0.44.dev20260713+nightly
codegen_flags: <defaults>
</compile_context>

<pallas_src>
import functools

import jax
import jax.numpy as jnp
from jax.experimental import pallas as pl
from jax.experimental.pallas import tpu as pltpu

_BATCH = 16
_NCLS = 80
_H = 128
_W = 128
_TOPK = 100
_SCALE = 4.0
_THRESH = 0.01


def _nms_body(hm_ref, out_ref):
    x = hm_ref[...]
    neg = jnp.float32(-jnp.inf)
    up = jnp.concatenate([jnp.full_like(x[:, :1, :], neg), x[:, :-1, :]], axis=1)
    dn = jnp.concatenate([x[:, 1:, :], jnp.full_like(x[:, :1, :], neg)], axis=1)
    v = jnp.maximum(jnp.maximum(up, dn), x)
    lf = jnp.concatenate([jnp.full_like(v[:, :, :1], neg), v[:, :, :-1]], axis=2)
    rt = jnp.concatenate([v[:, :, 1:], jnp.full_like(v[:, :, :1], neg)], axis=2)
    m = jnp.maximum(jnp.maximum(lf, rt), v)
    out_ref[...] = jnp.where(m == x, x, 0.0)


def _nms_filter(heatmap):
    bc = _BATCH * _NCLS
    hm = heatmap.reshape(bc, _H, _W)
    cb = 80
    grid = (bc // cb,)
    return pl.pallas_call(
        _nms_body,
        grid=grid,
        in_specs=[pl.BlockSpec((cb, _H, _W), lambda i: (i, 0, 0))],
        out_specs=pl.BlockSpec((cb, _H, _W), lambda i: (i, 0, 0)),
        out_shape=jax.ShapeDtypeStruct((bc, _H, _W), jnp.float32),
    )(hm).reshape(_BATCH, _NCLS, _H, _W)


def kernel(heatmap, offset, wh):
    filt = _nms_filter(heatmap)
    flat = filt.reshape(_BATCH, -1)
    scores, indices = jax.lax.top_k(flat, _TOPK)
    hw = _H * _W
    ids = (indices // hw).astype(jnp.float32)[:, :, None]
    spatial = indices % hw
    ys = spatial // _W
    xs = spatial % _W
    b_idx = jnp.arange(_BATCH)[:, None]
    xo = offset[b_idx, 0, ys, xs]
    yo = offset[b_idx, 1, ys, xs]
    w = wh[b_idx, 0, ys, xs]
    h = wh[b_idx, 1, ys, xs]
    cx = xs.astype(jnp.float32) + xo
    cy = ys.astype(jnp.float32) + yo
    bboxes = jnp.stack([cx - w / 2, cy - h / 2, cx + w / 2, cy + h / 2], axis=-1)
    scores = scores[:, :, None]
    mask = scores > _THRESH
    ids = jnp.where(mask, ids, -1.0)
    out_scores = jnp.where(mask, scores, -1.0)
    bboxes = jnp.where(mask, bboxes, -1.0)
    return (ids, out_scores, bboxes * _SCALE)

# --- scband reference (transcript-rebuilt; emitter-appended) ---
"""Pipeline reference for scband-prediction-37623913513605 (READ-ONLY COPY).

The authoritative reference and input builder live on the scoring server;
editing this copy changes nothing except your own understanding.
"""

import jax, jax.numpy as jnp
import numpy as np

BATCH_SIZE = 16
TOPK = 100
SCALE = 4.0
EXCEPT_THRESH = 0.01


def _maxpool3x3(x):
    return jax.lax.reduce_window(x, -jnp.inf, jax.lax.max, (1, 1, 3, 3), (1, 1, 1, 1), [(0, 0), (0, 0), (1, 1), (1, 1)])


def setup_inputs(seed: int = 0):
    key = jax.random.key(seed)
    k1, k2, k3 = jax.random.split(key, 3)
    heatmap = jax.random.uniform(k1, (BATCH_SIZE, 80, 128, 128), dtype=jnp.float32)
    offset = jax.random.normal(k2, (BATCH_SIZE, 2, 128, 128), dtype=jnp.float32)
    wh = jax.random.normal(k3, (BATCH_SIZE, 2, 128, 128), dtype=jnp.float32)
    return {"heatmap": heatmap, "offset": offset, "wh": wh}


def reference(heatmap, offset, wh):
    keep = _maxpool3x3(heatmap) == heatmap
    heatmap = jnp.where(keep, heatmap, 0.0)
    batch, channel, height, width = heatmap.shape
    heatmap_resize = heatmap.reshape((batch, -1))
    scores, indices = jax.lax.top_k(heatmap_resize, TOPK)
    scores = scores[:, :, None]
    ids = (indices // (height * width)).astype(jnp.float32)[:, :, None]
    offset = jnp.transpose(offset, (0, 2, 3, 1)).reshape((batch, -1, 2))
    wh = jnp.transpose(wh, (0, 2, 3, 1)).reshape((batch, -1, 2))
    topk_indices = indices % (height * width)
    topk_ys = topk_indices // width
    topk_xs = topk_indices % width
    batch_indices = jnp.arange(BATCH_SIZE, dtype=topk_indices.dtype)[:offset.shape[0], None]
    batch_indices = jnp.repeat(batch_indices, TOPK, axis=-1)
    offset_xs_indices = jnp.zeros_like(batch_indices)
    offset_ys_indices = jnp.ones_like(batch_indices)
    offset_xs = jnp.concatenate((batch_indices, topk_indices, offset_xs_indices), axis=0).reshape((3, -1))
    offset_ys = jnp.concatenate((batch_indices, topk_indices, offset_ys_indices), axis=0).reshape((3, -1))
    xs = offset[offset_xs[0], offset_xs[1], offset_xs[2]].reshape((-1, TOPK))
    ys = offset[offset_ys[0], offset_ys[1], offset_ys[2]].reshape((-1, TOPK))
    topk_xs = topk_xs.astype(jnp.float32) + xs
    topk_ys = topk_ys.astype(jnp.float32) + ys
    w = wh[offset_xs[0], offset_xs[1], offset_xs[2]].reshape((-1, TOPK))
    h = wh[offset_ys[0], offset_ys[1], offset_ys[2]].reshape((-1, TOPK))
    half_w = w / 2
    half_h = h / 2
    bboxes = [topk_xs - half_w, topk_ys - half_h, topk_xs + half_w, topk_ys + half_h]
    bboxes = jnp.concatenate([b[:, :, None] for b in bboxes], axis=-1)
    except_mask = scores > EXCEPT_THRESH
    ids = jnp.where(except_mask, ids, -jnp.ones_like(ids))
    scores = jnp.where(except_mask, scores, -jnp.ones_like(scores))
    xmin = jnp.where(except_mask, bboxes[:, :, 0:1], -jnp.ones_like(bboxes[:, :, 0:1]))
    ymin = jnp.where(except_mask, bboxes[:, :, 1:2], -jnp.ones_like(bboxes[:, :, 1:2]))
    xmax = jnp.where(except_mask, bboxes[:, :, 2:3], -jnp.ones_like(bboxes[:, :, 2:3]))
    ymax = jnp.where(except_mask, bboxes[:, :, 3:4], -jnp.ones_like(bboxes[:, :, 3:4]))
    bboxes = jnp.concatenate([xmin, ymin, xmax, ymax], axis=-1)
    return (ids, scores, bboxes * SCALE)

if __name__ == "__main__":
    import jax
    _d = setup_inputs()
    print(jax.jit(kernel)(*tuple(_d.values())))

</pallas_src>

<mosaic_0001>
module attributes {stable_mosaic.version = 14 : i64} {
  func.func @_nms_body(%arg0: i32, %arg1: memref<80x128x128xf32, #tpu.memory_space<vmem>>, %arg2: memref<80x128x128xf32, #tpu.memory_space<vmem>>) attributes {dimension_semantics = [#tpu.dimension_semantics<arbitrary>], iteration_bounds = array<i64: 16>, scalar_prefetch = 0 : i64, scratch_operands = 0 : i64, tpu.core_type = #tpu.core_type<tc>, window_params = [{transform_indices = @transform_0, window_bounds = array<i64: 80, 128, 128>}, {transform_indices = @transform_1, window_bounds = array<i64: 80, 128, 128>}]} {
    %get3A = arith.constant 0 : index
    %get3A_0 = arith.constant 0 : index
    %get3A_1 = arith.constant 0 : index
    %get3A_2 = vector.load %arg1[%get3A, %get3A_0, %get3A_1] : memref<80x128x128xf32, #tpu.memory_space<vmem>>, vector<80x128x128xf32>
    %broadcast_in_dim3A = arith.constant 0xFF800000 : f32
    %broadcast_in_dim3A_3 = vector.broadcast %broadcast_in_dim3A : f32 to vector<80x1x128xf32>
    %slice3A = vector.extract_strided_slice %get3A_2 {offsets = [0, 0, 0], sizes = [80, 127, 128], strides = [1, 1, 1]} : vector<80x128x128xf32> to vector<80x127x128xf32>
    %concatenate3A = tpu.concatenate %broadcast_in_dim3A_3, %slice3A in 1 : vector<80x1x128xf32>, vector<80x127x128xf32> -> vector<80x128x128xf32>
    %slice3A_4 = vector.extract_strided_slice %get3A_2 {offsets = [0, 1, 0], sizes = [80, 127, 128], strides = [1, 1, 1]} : vector<80x128x128xf32> to vector<80x127x128xf32>
    %broadcast_in_dim3A_5 = arith.constant 0xFF800000 : f32
    %broadcast_in_dim3A_6 = vector.broadcast %broadcast_in_dim3A_5 : f32 to vector<80x1x128xf32>
    %concatenate3A_7 = tpu.concatenate %slice3A_4, %broadcast_in_dim3A_6 in 1 : vector<80x127x128xf32>, vector<80x1x128xf32> -> vector<80x128x128xf32>
    %max3A = arith.maximumf %concatenate3A, %concatenate3A_7 : vector<80x128x128xf32>
    %max3A_8 = arith.maximumf %max3A, %get3A_2 : vector<80x128x128xf32>
    %broadcast_in_dim3A_9 = arith.constant 0xFF800000 : f32
    %broadcast_in_dim3A_10 = vector.broadcast %broadcast_in_dim3A_9 : f32 to vector<80x128x1xf32>
    %slice3A_11 = vector.extract_strided_slice %max3A_8 {offsets = [0, 0, 0], sizes = [80, 128, 127], strides = [1, 1, 1]} : vector<80x128x128xf32> to vector<80x128x127xf32>
    %concatenate3A_12 = tpu.concatenate %broadcast_in_dim3A_10, %slice3A_11 in 2 : vector<80x128x1xf32>, vector<80x128x127xf32> -> vector<80x128x128xf32>
    %slice3A_13 = vector.extract_strided_slice %max3A_8 {offsets = [0, 0, 1], sizes = [80, 128, 127], strides = [1, 1, 1]} : vector<80x128x128xf32> to vector<80x128x127xf32>
    %broadcast_in_dim3A_14 = arith.constant 0xFF800000 : f32
    %broadcast_in_dim3A_15 = vector.broadcast %broadcast_in_dim3A_14 : f32 to vector<80x128x1xf32>
    %concatenate3A_16 = tpu.concatenate %slice3A_13, %broadcast_in_dim3A_15 in 2 : vector<80x128x127xf32>, vector<80x128x1xf32> -> vector<80x128x128xf32>
    %max3A_17 = arith.maximumf %concatenate3A_12, %concatenate3A_16 : vector<80x128x128xf32>
    %max3A_18 = arith.maximumf %max3A_17, %max3A_8 : vector<80x128x128xf32>
    %eq3A = arith.cmpf oeq, %max3A_18, %get3A_2 : vector<80x128x128xf32>
    %jit3A = arith.constant 0.000000e+00 : f32
    %broadcast_in_dim3A_19 = vector.broadcast %jit3A : f32 to vector<80x128x128xf32>
    %select_n3A = arith.select %eq3A, %get3A_2, %broadcast_in_dim3A_19 : vector<80x128x128xi1>, vector<80x128x128xf32>
    %swap3A = arith.constant 0 : index
    %swap3A_20 = arith.constant 0 : index
    %swap3A_21 = arith.constant 0 : index
    %swap3A_22 = vector.load %arg2[%swap3A, %swap3A_20, %swap3A_21] : memref<80x128x128xf32, #tpu.memory_space<vmem>>, vector<80x128x128xf32>
    tpu.vector_store %arg2[%swap3A, %swap3A_20, %swap3A_21], %select_n3A {strides = array<i32>} : memref<80x128x128xf32, #tpu.memory_space<vmem>>, vector<80x128x128xf32>,
    return
  }
  func.func @transform_0(%arg0: i32) -> (i32, i32, i32) {
    %c0_i32 = arith.constant 0 : i32
    %c0_i32_0 = arith.constant 0 : i32
    %c0_i32_1 = arith.constant 0 : i32
    return %arg0, %c0_i32, %c0_i32_0 : i32, i32, i32
  }
  func.func @transform_1(%arg0: i32) -> (i32, i32, i32) {
    %c0_i32 = arith.constant 0 : i32
    %c0_i32_0 = arith.constant 0 : i32
    %c0_i32_1 = arith.constant 0 : i32
    return %arg0, %c0_i32, %c0_i32_0 : i32, i32, i32
  }
}

</mosaic_0001>

<sc_bundles>
// kernel: gather_offload_async_start.1
scs
__scs_entry_jumppad:
0x0: {  	(pc) =	sbr.rel $0x88, $3  }
0x1: {  	(tag) =	ssettag $0x0;
	lr =	simm.s32 $0x1  }
0x2: {  	[smem:$0x3F9E] =	sst lr;
	_ =	strace $0xD0000000  }
0x3: {  	_ = 	snop  }
0x4: {  	_ = 	snop  }
0x5: {  	_ = 	snop  }
0x6: {  	_ = 	snop  }
0x7: {  	_ = 	snop  }
__scs_overlays_trampoline_lowered:
0x8: {  	[smem:$0x3FAD] =	sst s0  }
0x9: {  	[smem:$0x3FAE] =	sst s1  }
0xa: {  	[smem:$0x3FAF] =	sst s2  }
0xb: {  	[smem:$0x3FB0] =	sst s3  }
0xc: {  	[smem:$0x3FB1] =	sst s4  }
0xd: {  	[smem:$0x3FB2] =	sst s5  }
0xe: {  	[smem:$0x3FB3] =	sst s6  }
0xf: {  	[smem:$0x3FB4] =	sst s7  }
0x10: {  	[smem:$0x3FB5] =	sst s8  }
0x11: {  	[smem:$0x3FB6] =	sst s9;
	s0 =	simm.s32 @!p0 $0x0  }
0x12: {  	s1 =	sld [smem:$0x3F9C];
	s0 =	simm.s32 @p0 $0x1  }
0x13: {  	[smem:$0x3FB7] =	sst s0;
	s0 =	simm.s32 @!p1 $0x0  }
0x14: {  	s2 =	sld [smem:$0x3F9B];
	s0 =	simm.s32 @p1 $0x1  }
0x15: {  	[smem:$0x3FB8] =	sst s0;
	s0 =	simm.s32 @!p2 $0x0  }
0x16: {  	s3 =	sld [smem:$0x3FDB];
	s0 =	simm.s32 @p2 $0x1  }
0x17: {  	s4 =	simm.s32 $0x1BF5;
	[smem:$0x3FBA] =	sst s0  }
0x18: {  	s0 =	sld [smem:$0x3F9D];
	_ =	swait.ge [sflag:s4], $0x0  }
0x19: {  	s7 =	sld [smem:$0x3F9E]  }
0x1a: {  	s8 =	sadd.s32 $0xFFFFE003, lr  }
0x1b: {  	s9 =	sadd.s32 $0xFFFFFEF7, lr;
	s5 =	simm.s32 $0xFFFFFFFF;
	p2 =	slt.u32 s8, $0xFFFFF086  }
0x1c: {  	p1 =	slt.u32 s9, $0xF7A;
	s5 =	simm.s32 @!p2 $0x0  }
0x1d: {  	s5 =	simm.s32 @p1 $0x1;
	p0 =	seq.s32 s7, s2  }
0x1e: {  	s7 =	smul.u32 @!p0 $0xF7A, s2;
	p2 =	seq.s32 @!p0 s5, $0x0  }
0x1f: {  	s9 =	smul.u32 $0xF7A, s1;
	s8 =	simm.s32 @!p0 $0x1BF5;
	p2 =	por !p2, p0  }
0x20: {  	[sflag:s8] =	ssyncset.s32 @!p0 $0xFFFFF086;
	s6 =	sadd.s32 @!p0 s3, s7;
	s7 =	simm.s32 @!p0 $0x108  }
0x21: {  	s3 =	sadd.s32 s3, s9;
	s6 =	sadd.s32 @!p0 $0x88, s6;
	s7 =	simm.s32 @p2 $0x1082  }
0x22: {  	[simem:s7], [sflag:s8] =	dma.local @!p0 [hbm:s6], $0xF7A  }
0x23: {  	s9 =	sor.u32 $0xD0000000, s2;
	s6 =	simm.s32 $0x108;
	_ =	swait.ge @!p0 [sflag:s8], $0x0  }
0x24: {  	s3 =	sadd.s32 $0x88, s3;
	s6 =	simm.s32 @!p1 $0x1082;
	[sflag:s4] =	ssyncset.s32 $0xFFFFF086  }
0x25: {  	[simem:s6], [sflag:s4] =	dma.local [hbm:s3], $0xF7A  }
0x26: {  	[smem:$0x3F9E] =	sst s1;
	(tag) =	ssettag s2;
	_ =	strace s9  }
0x27: {  	s1 =	sld [smem:$0x3FAE]  }
0x28: {  	s2 =	sld [smem:$0x3FAF]  }
0x29: {  	s4 =	sld [smem:$0x3FB1]  }
0x2a: {  	p0 =	seq.s32 s5, $0x0;
	s5 =	sld [smem:$0x3FB2]  }
0x2b: {  	s6 =	sld [smem:$0x3FB3]  }
0x2c: {  	s7 =	sld [smem:$0x3FB4]  }
0x2d: {  	s3 =	simm.s32 $0x108;
	s8 =	sld [smem:$0x3FB5]  }
0x2e: {  	s3 =	simm.s32 @!p0 $0x1082;
	s9 =	sld [smem:$0x3FB6]  }
0x2f: {  	lr =	sadd.s32 s0, s3;
	s0 =	sld [smem:$0x3FAD]  }
0x30: {  	s3 =	sld [smem:$0x3FB0]  }
0x31: {  	[smem:$0x3FB9] =	sst s10  }
0x32: {  	s10 =	sld [smem:$0x3FB7];
	_ =	sdelay $0x3  }
0x33: {  	p0 =	seq.s32 s10, $0x1;
	s10 =	sld [smem:$0x3FB9];
	_ =	sdelay $0x3  }
0x34: {  	[smem:$0x3FB9] =	sst s10  }
0x35: {  	s10 =	sld [smem:$0x3FB8];
	_ =	sdelay $0x3  }
0x36: {  	p1 =	seq.s32 s10, $0x1;
	s10 =	sld [smem:$0x3FB9];
	_ =	sdelay $0x3  }
0x37: {  	[smem:$0x3FB9] =	sst s10  }
0x38: {  	s10 =	sld [smem:$0x3FBA]  }
0x39: {  	_ = 	snop;
	(pc) =	sbr.ind lr, $3  }
0x3a: {  	_ = 	snop  }
0x3b: {  	_ = 	snop  }
0x3c: {  	p2 =	seq.s32 s10, $0x1;
	s10 =	sld [smem:$0x3FB9]  }
0x3d: {  	_ =	shalt  }
0x3e: {  	_ =	shalt  }
0x3f: {  	_ =	shalt  }
0x40: {  	_ =	shalt  }
0x41: {  	_ =	shalt  }
0x42: {  	_ =	shalt  }
0x43: {  	_ =	shalt  }
0x44: {  	_ =	shalt  }
0x45: {  	_ =	shalt  }
0x46: {  	_ =	shalt  }
0x47: {  	_ =	shalt  }
0x48: {  	_ =	shalt  }
0x49: {  	_ =	shalt  }
0x4a: {  	_ =	shalt  }
0x4b: {  	_ =	shalt  }
0x4c: {  	_ =	shalt  }
0x4d: {  	_ =	shalt  }
0x4e: {  	_ =	shalt  }
0x4f: {  	_ =	shalt  }
0x50: {  	_ =	shalt  }
0x51: {  	_ =	shalt  }
0x52: {  	_ =	shalt  }
0x53: {  	_ =	shalt  }
0x54: {  	_ =	shalt  }
0x55: {  	_ =	shalt  }
0x56: {  	_ =	shalt  }
0x57: {  	_ =	shalt  }
0x58: {  	_ =	shalt  }
0x59: {  	_ =	shalt  }
0x5a: {  	_ =	shalt  }
0x5b: {  	_ =	shalt  }
0x5c: {  	_ =	shalt  }
0x5d: {  	_ =	shalt  }
0x5e: {  	_ =	shalt  }
0x5f: {  	_ =	shalt  }
0x60: {  	_ =	shalt  }
0x61: {  	_ =	shalt  }
0x62: {  	_ =	shalt  }
0x63: {  	_ =	shalt  }
0x64: {  	_ =	shalt  }
0x65: {  	_ =	shalt  }
0x66: {  	_ =	shalt  }
0x67: {  	_ =	shalt  }
0x68: {  	_ =	shalt  }
0x69: {  	_ =	shalt  }
0x6a: {  	_ =	shalt  }
0x6b: {  	_ =	shalt  }
0x6c: {  	_ =	shalt  }
0x6d: {  	_ =	shalt  }
0x6e: {  	_ =	shalt  }
0x6f: {  	_ =	shalt  }
0x70: {  	_ =	shalt  }
0x71: {  	_ =	shalt  }
0x72: {  	_ =	shalt  }
0x73: {  	_ =	shalt  }
0x74: {  	_ =	shalt  }
0x75: {  	_ =	shalt  }
0x76: {  	_ =	shalt  }
0x77: {  	_ =	shalt  }
0x78: {  	_ =	shalt  }
0x79: {  	_ =	shalt  }
0x7a: {  	_ =	shalt  }
0x7b: {  	_ =	shalt  }
0x7c: {  	_ =	shalt  }
0x7d: {  	_ =	shalt  }
0x7e: {  	_ =	shalt  }
0x7f: {  	_ =	shalt  }
0x80: {  	_ =	shalt  }
0x81: {  	_ =	shalt  }
0x82: {  	_ =	shalt  }
0x83: {  	_ =	shalt  }
0x84: {  	_ =	shalt  }
0x85: {  	_ =	shalt  }
0x86: {  	_ =	shalt  }
0x87: {  	_ =	shalt  }
.Lfunc_end0:
.L_simem_size_0:
called_computation.1_lowered:
.L_overlay_start_0:
0x88: {  	s2 =	sld [smem:$0x3FD9]  }
0x89: {  	s3 =	sld [smem:$0x3FFE];
	_ =	sdelay $0x1  }
0x8a: {  	s1 =	srdreg.scid  }
0x8b: {  	s0 =	sand.u32 $0x1, s1  }
0x8c: {  	s14 =	sshll.u32 s0, $0xA;
	s2 =	sadd.s32 s3, s2  }
0x8d: {  	s2 =	sadd.s32 s2, s14  }
0x8e: {  	[smem:$0x3FC5] =	sst s2  }
0x8f: {  	_ = 	snop  }
0x90: {  	s2 =	sld [smem:$0x3FD0];
	_ =	sdelay $0x2  }
0x91: {  	s4 =	simm.s32 $0xB;
	s5 =	simm.s32 $0x10;
	s15 =	sld [smem:$0x3FC8]  }
0x92: {  	[smem:s5], [sflag:s4] =	dma.local [hbm:s2], $0x1  }
0x93: {  	_ =	swait.eq [sflag:s4], $0x1  }
0x94: {  	[sflag:s4] =	ssyncset.done $0x0  }
0x95: {  	[sflag:s4] =	ssyncadd.s32 $0xFFFFFFFF  }
0x96: {  	s16 =	sld [smem:$0x12];
	(tm) =	ssettm $0x1  }
0x97: {  	s17 =	sld [smem:$0x3FFB];
	_ =	sdelay $0x3  }
0x98: {  	_ =	strace s17  }
0x99: {  	s4 =	sld [smem:$0x3FFC];
	_ =	sdelay $0x3  }
0x9a: {  	_ =	strace s4  }
0x9b: {  	s4 =	sld [smem:$0x3FFD];
	_ =	sdelay $0x3  }
0x9c: {  	_ =	strace s4  }
0x9d: {  	_ =	strace $0x8FFFFFFF  }
0x9e: {  	s18 =	sld [smem:$0x3FDB];
	_ =	sdelay $0x1  }
0x9f: {  	s19 =	simm.s32 $_scs_section_size  }
0xa0: {  	s6 =	simm.s32 $_size__tile_overlayer_lowered;
	s7 =	simm.s32 $_tile_overlayer_lowered  }
0xa1: {  	s22 =	simm.s32 $0x1BFF;
	s21 =	sshll.u32 s7, $0x1;
	s4 =	sadd.s32 s19, s18  }
0xa2: {  	s8 =	simm.s32 $0x0;
	s20 =	sshll.u32 s6, $0x1;
	s6 =	sadd.s32 s21, s4  }
0xa3: {  	[timem:s8], [sflag:s22] =	dma.local [hbm:s6], s20  }
0xa4: {  	_ =	swait.ge [sflag:s22], s20  }
0xa5: {  	s5 =	ssub.s32 $0x0, s20;
	[sflag:s22] =	ssyncset.done $0x0  }
0xa6: {  	[sflag:s22] =	ssyncadd.s32 s5;
	_ =	sdelay $0x1  }
0xa7: {  	s23 =	simm.s32 $0x1B8B  }
0xa8: {  	_ =	swait.ge [sflag:s23], $0x1  }
0xa9: {  	[sflag:s23] =	ssyncset.done $0x0  }
0xaa: {  	s25 =	simm.s32 $0x1B8E;
	s24 =	sld [smem:$0x3FFE];
	[sflag:s23] =	ssyncadd.s32 $0xFFFFFFFF  }
0xab: {  	s26 =	simm.s32 $execute0_lowered;
	[smem:$0x3FD2] =	sst s25  }
0xac: {  	s6 =	sshll.u32 s26, $0x1;
	_ =	strace $0x8000004C;
	[dreg:$0x1] =	wrdreg $0xFFFFFFFF  }
0xad: {  	s28 =	simm.s32 $_size_execute0_lowered;
	s4 =	sadd.s32 s4, s6;
	[dreg:$0x0] =	wrdreg $0x0  }
0xae: {  	s6 =	sshll.u32 s28, $0x1;
	[dreg:$0x2] =	wrdreg s4  }
0xaf: {  	[dreg:$0x3] =	wrdreg s6  }
0xb0: {  	[dreg:$0x4] =	wrdreg $0xC0  }
0xb1: {  	_ =	task [dreg:s8], $0x5FFFF  }
0xb2: {  	[dreg:$0x1] =	wrdreg $0xFFFFFFFF  }
0xb3: {  	[dreg:$0x0] =	wrdreg $0x60  }
0xb4: {  	[dreg:$0x2] =	wrdreg s15  }
0xb5: {  	[dreg:$0x3] =	wrdreg s16  }
0xb6: {  	[dreg:$0x4] =	wrdreg s24  }
0xb7: {  	[dreg:$0x5] =	wrdreg $0xA  }
0xb8: {  	_ =	task.clear_ibuf [dreg:s8], $0x6FFFF;
	_ =	strace $0x9000004C  }
0xb9: {  	s29 =	simm.s32 $0xA;
	_ =	strace $0x8000004E  }
0xba: {  	_ =	swait.ge [sflag:s29], $0x1  }
0xbb: {  	[sflag:s29] =	ssyncadd.s32 $0xFFFFFFFF  }
0xbc: {  	_ =	strace $0x9000004E  }
0xbd: {  	_ =	sfence  }
0xbe: {  	s30 =	sld [smem:$0x0];
	_ =	sdelay $0x2  }
0xbf: {  	s31 =	sshll.u32 s1, $0xD;
	s1 =	sshrl.u32 s1, $0x2  }
0xc0: {  	s3 =	sand.u32 $0x4000, s31;
	s1 =	sadd.s32 s1, s30  }
0xc1: {  	s0 =	sor.u32 s3, s0;
	s1 =	sshll.u32 s1, $0x11  }
0xc2: {  	s0 =	sor.u32 s1, s0  }
0xc3: {  	s0 =	sadd.s32 $0x8F2B, s0  }
0xc4: {  	[sflag:s0] =	ssyncadd.remote.s32 $0x1  }
0xc5: {  	_ =	sfence.sel $0xFFFF  }
0xc6: {  	[dreg:$0x0] =	wrdreg $0xFFFFFFFF;
	(pc) =	sbr.abs _section_cstart, $3  }
0xc7: {  	[dreg:$0x1] =	wrdreg $0xFFFFFFFF  }
0xc8: {  	_ =	task.clear_ibuf [dreg:s8], $0x2FFFF;
	_ =	strace $0x9FFFFFFF  }
0xc9: {  	(tm) =	ssettm $0x7FFFFFFF  }
tec
execute0_lowered:
.L_overlay_start_1:
0x0: {  	(tag) =	ssettag $0x1  }
0x1: {  	s2 =	rddreg [dreg:$0x0]  }
0x2: {  	s1 =	srdreg.scid;
	s3 =	rddreg [dreg:$0x1]  }
0x3: {  	s0 =	stileid.u32;
	s4 =	rddreg [dreg:$0x2];
	s1 =	sshll.u32 s1, $0x5  }
0x4: {  	s6 =	simm.s32 $0x1;
	s5 =	sshll.u32 s0, $0x6;
	s1 =	sand.u32 $0x20, s1  }
0x5: {  	s9 =	simm.s32 $0x1;
	s10 =	simm.s32 $0x3;
	s5 =	sor.u32 s5, s1  }
0x6: {  	s13 =	simm.s32 $0x0;
	s1 =	rddreg [dreg:$0x3];
	s8 =	ssub.s32 $0x640, s5  }
.Ltmp0:
0x7: {  	_ =	strace $0x8000004D;
	s7 =	sand.u32 $0x3E0, s8;
	(pc) =	sbr.rel .LBB2_1-.Ltmp0, $4  }
0x8: {  	s12 =	simm.s32 $0x0;
	[sflag:s6] =	ssyncpa.u1 $0x0;
	p0 =	sne.s32 s7, $0x0  }
0x9: {  	s8 =	sshrl.u32 s8, $0xA;
	s7 =	simm.s32 $0x2;
	s9 =	simm.s32 @!p0 $0x0  }
0xa: {  	s11 =	smov.u32 s5;
	[sflag:s7] =	ssyncpa.u1 $0x0;
	s8 =	sadd.s32 s9, s8  }
0xb: {  	vm0 =	vmmov $0xffff;
	[sflag:s10] =	ssyncpa.u1 $0x0;
	s10 =	simm.s32 $0x0;
	s9 =	sadd.s32 $0x1, s8  }
.LBB2_5:
0xc: {  	s15 =	sadd.s32 $0x400, s11  }
0xd: {  	p1 =	sgt.s32 s15, $0x63F  }
0xe: {  	s15 =	smov.u32 @p1 s5;
	p1 =	sne.s32 s12, s9  }
.Ltmp1:
0xf: {  	p0 =	slt.u32 s12, $0x2;
	(pc) =	sbr.rel @!p1 .LBB2_6-.Ltmp1, $4  }
0x10: {  	s14 =	simm.s32 @!p0 $0x3  }
0x11: {  	_ =	swait.ge @!p0 [sflag:s14], $0x20  }
0x12: {  	s16 =	sadd.s32 $0x1, s12;
	s13 =	smov.u32 s11;
	[sflag:s14] =	ssyncset.done @!p0 $0x0  }
0x13: {  	s12 =	smov.u32 s16;
	s11 =	smov.u32 s15;
	[sflag:s14] =	ssyncadd.s32 @!p0 $0xFFFFFFE0  }
.LBB2_1:
0x14: {  	p0 =	sge.u32 s12, s8  }
0x15: {  	s14 =	sxor.u32 @!p0 $0xFFFFFFFF, s12  }
0x16: {  	s31 =	sadd.s32 $0xFFFFFFFF, s12;
	s15 =	sshrl.u32 @!p0 s11, $0x3;
	s14 =	sshll.u32 @!p0 s14, $0x5  }
0x17: {  	s16 =	sand.u32 @!p0 $0x7, s11;
	s15 =	sadd.s32 @!p0 s3, s15;
	s14 =	sand.u32 @!p0 $0x20, s14  }
0x18: {  	[tilespmem:s14], [sflag:$0x2] =	stream.linear.gather @!p0 [hbm4b:s15+s16], $0x20, $0x38;
	[tilespmem:$0x80] =	vst v63  }
0x19: {  	p0 =	sge.u32 s31, s8  }
.Ltmp2:
0x1a: {  	_ = 	snop;
	(pc) =	sbr.rel @p0 .LBB2_5-.Ltmp2, $1  }
0x1b: {  	_ =	sdelay $0x3  }
0x1c: {  	_ =	swait.ge [sflag:s7], $0x20;
	s14 =	sshll.u32 s12, $0x5;
	s16 =	simm.s32 $0x0  }
0x1d: {  	p0 =	por $0x1, $0x1;
	[sflag:s7] =	ssyncset.done $0x0;
	s15 =	sand.u32 $0x20, s14  }
0x1e: {  	[sflag:s7] =	ssyncadd.s32 $0xFFFFFFE0;
	(ifvalue) =	ssetifvalue $0x7FFFFFFF;
	s14 =	sor.u32 $0x40, s15  }
.LBB2_3:
0x1f: {  	s17 =	sadd.s32 s16, s15  }
0x20: {  	v0 =	vld.msk [tilespmem:s17+$0x0 ss:$0x1], $0xffff;
	_ =	sdelay $0x4  }
0x21: {  	vm1 =	veq.s32 v0, $0x80000000;
	v1 =	vshrl.u32 v0, $0xC  }
0x22: {  	v2 =	vshll.u32 v0, $0xF;
	v3 =	vshll.u32 v0, $0xA;
	v0 =	vshll.u32 v0, $0x2  }
0x23: {  	v2 =	vand.u32 $0x78000, v2;
	v3 =	vand.u32 $0x4000, v3;
	v0 =	vand.u32 $0x3F80, v0  }
0x24: {  	v1 =	vand.u32 $0x7F, v1;
	v2 =	vor.u32 v3, v2;
	v0 =	vsel vm1, $0xFFFFFF80, v0  }
0x25: {  	v1 =	vsel vm1, $0xFFFFFFFF, v1;
	v2 =	vsel vm1, $0xFFFF4000, v2;
	v62 =	vand.u32 $0xFFFFFC00, v0  }
0x26: {  	v63 =	vand.u32 $0xFFFFFC00, v1;
	v2 =	vadd.s32 v62, v2  }
0x27: {  	v0 =	vand.u32 $0x380, v0;
	v2 =	vadd.s32 v63, v2  }
0x28: {  	v1 =	vand.u32 $0x7F, v1;
	v0 =	vor.u32 v0, v2  }
0x29: {  	p1 =	por p0, p0;
	v0 =	vor.u32 v1, v0  }
.Ltmp3:
0x2a: {  	_ = 	snop;
	(pc) =	sbr.rel @p1 .LBB2_3-.Ltmp3, $4  }
0x2b: {  	_ = 	snop  }
0x2c: {  	s31 =	sadd.s32 s16, s14  }
0x2d: {  	s16 =	simm.s32 $0x10;
	p0 =	por $0x0, $0x0;
	(ifvalue) =	ssetifvalue $0x7FFFFFFF  }
0x2e: {  	[tilespmem:s31], [sflag:$0x1] =	stream.indirect_vreg.gather [hbm4b:s2+s10], $0x1, v0, vm0, $0x4038;
	[tilespmem:$0x80] =	vst v63  }
.Ltmp4:
0x2f: {  	(pc) =	sbr.rel .LBB2_5-.Ltmp4, $4  }
0x30: {  	_ =	swait.ge [sflag:s6], $0x20  }
0x31: {  	s15 =	sshrl.u32 s13, $0x3;
	[sflag:s6] =	ssyncset.done $0x0  }
0x32: {  	s31 =	sand.u32 $0x7, s13;
	s15 =	sadd.s32 s4, s15;
	[sflag:s6] =	ssyncadd.s32 $0xFFFFFFE0  }
0x33: {  	[hbm4b:s15+s31] =	stream.linear.scatter [tilespmem:s14], [sflag:$0x3], $0x20, $0x38;
	[tilespmem:$0x80] =	vst v63  }
.LBB2_6:
0x34: {  	_ =	sfence.sel $0x180000  }
0x35: {  	s2 =	simm.s32 $0x2;
	[bflag:$0x0] =	sbarrier.arrive $0xFFFF  }
0x36: {  	s30 =	simm.s32 $0x3;
	[sflag:s2] =	ssyncpa.u1 $0x1  }
0x37: {  	s31 =	simm.s32 $0x1;
	[sflag:s30] =	ssyncpa.u1 $0x1  }
0x38: {  	[sflag:s31] =	ssyncpa.u1 $0x1  }
0x39: {  	p0 =	sne.s32 s0, $0x0;
	_ =	strace $0x9000004D  }
0x3a: {  	s0 =	sadd.s32 @!p0 $0x100000, s1;
	[bflag:$0x2] =	sbarrier.arrive $0xFFFF  }
0x3b: {  	[sflag:s0] =	ssyncadd.tile.s32 @!p0 $0x1;
	_ =	shalt  }
.Lfunc_end2:
_tile_overlayer_lowered:
.L_overlay_start_2:
0x3c: {  	(tag) =	ssettag $0x2  }
0x3d: {  	s0 =	rddreg [dreg:$0x0];
	s2 =	stileid.u32  }
0x3e: {  	s1 =	rddreg [dreg:$0x1];
	p0 =	sne.s32 s2, $0x0  }
0x3f: {  	s3 =	rddreg [dreg:$0x2];
	[bflag:$0x3] =	sbarrier.arrive $0xFFFF;
	s2 =	simm.s32 @!p0 $0x1C01  }
0x40: {  	[timem:s3], [sflag:s2] =	dma.local @!p0 [hbm:s0], s1  }
0x41: {  	s0 =	simm.s32 @!p0 $0x1  }
0x42: {  	_ =	swait.ge @!p0 [sflag:s0], s1  }
0x43: {  	s1 =	ssub.s32 @!p0 $0x0, s1;
	[sflag:s0] =	ssyncset.done @!p0 $0x0  }
0x44: {  	[sflag:s0] =	ssyncadd.s32 @!p0 s1  }
0x45: {  	[bflag:$0x3] =	sbarrier.arrive $0xFFFF  }
0x46: {  	_ =	shalt  }

// kernel: gather_offload_async_start.2
scs
__scs_entry_jumppad:
0x0: {  	(pc) =	sbr.rel $0x88, $3  }
0x1: {  	(tag) =	ssettag $0x0;
	lr =	simm.s32 $0x1  }
0x2: {  	[smem:$0x3F9E] =	sst lr;
	_ =	strace $0xD0000000  }
0x3: {  	_ = 	snop  }
0x4: {  	_ = 	snop  }
0x5: {  	_ = 	snop  }
0x6: {  	_ = 	snop  }
0x7: {  	_ = 	snop  }
__scs_overlays_trampoline_lowered:
0x8: {  	[smem:$0x3FAD] =	sst s0  }
0x9: {  	[smem:$0x3FAE] =	sst s1  }
0xa: {  	[smem:$0x3FAF] =	sst s2  }
0xb: {  	[smem:$0x3FB0] =	sst s3  }
0xc: {  	[smem:$0x3FB1] =	sst s4  }
0xd: {  	[smem:$0x3FB2] =	sst s5  }
0xe: {  	[smem:$0x3FB3] =	sst s6  }
0xf: {  	[smem:$0x3FB4] =	sst s7  }
0x10: {  	[smem:$0x3FB5] =	sst s8  }
0x11: {  	[smem:$0x3FB6] =	sst s9;
	s0 =	simm.s32 @!p0 $0x0  }
0x12: {  	s1 =	sld [smem:$0x3F9C];
	s0 =	simm.s32 @p0 $0x1  }
0x13: {  	[smem:$0x3FB7] =	sst s0;
	s0 =	simm.s32 @!p1 $0x0  }
0x14: {  	s2 =	sld [smem:$0x3F9B];
	s0 =	simm.s32 @p1 $0x1  }
0x15: {  	[smem:$0x3FB8] =	sst s0;
	s0 =	simm.s32 @!p2 $0x0  }
0x16: {  	s3 =	sld [smem:$0x3FDB];
	s0 =	simm.s32 @p2 $0x1  }
0x17: {  	s4 =	simm.s32 $0x1BF5;
	[smem:$0x3FBA] =	sst s0  }
0x18: {  	s0 =	sld [smem:$0x3F9D];
	_ =	swait.ge [sflag:s4], $0x0  }
0x19: {  	s7 =	sld [smem:$0x3F9E]  }
0x1a: {  	s8 =	sadd.s32 $0xFFFFE003, lr  }
0x1b: {  	s9 =	sadd.s32 $0xFFFFFEF7, lr;
	s5 =	simm.s32 $0xFFFFFFFF;
	p2 =	slt.u32 s8, $0xFFFFF086  }
0x1c: {  	p1 =	slt.u32 s9, $0xF7A;
	s5 =	simm.s32 @!p2 $0x0  }
0x1d: {  	s5 =	simm.s32 @p1 $0x1;
	p0 =	seq.s32 s7, s2  }
0x1e: {  	s7 =	smul.u32 @!p0 $0xF7A, s2;
	p2 =	seq.s32 @!p0 s5, $0x0  }
0x1f: {  	s9 =	smul.u32 $0xF7A, s1;
	s8 =	simm.s32 @!p0 $0x1BF5;
	p2 =	por !p2, p0  }
0x20: {  	[sflag:s8] =	ssyncset.s32 @!p0 $0xFFFFF086;
	s6 =	sadd.s32 @!p0 s3, s7;
	s7 =	simm.s32 @!p0 $0x108  }
0x21: {  	s3 =	sadd.s32 s3, s9;
	s6 =	sadd.s32 @!p0 $0x88, s6;
	s7 =	simm.s32 @p2 $0x1082  }
0x22: {  	[simem:s7], [sflag:s8] =	dma.local @!p0 [hbm:s6], $0xF7A  }
0x23: {  	s9 =	sor.u32 $0xD0000000, s2;
	s6 =	simm.s32 $0x108;
	_ =	swait.ge @!p0 [sflag:s8], $0x0  }
0x24: {  	s3 =	sadd.s32 $0x88, s3;
	s6 =	simm.s32 @!p1 $0x1082;
	[sflag:s4] =	ssyncset.s32 $0xFFFFF086  }
0x25: {  	[simem:s6], [sflag:s4] =	dma.local [hbm:s3], $0xF7A  }
0x26: {  	[smem:$0x3F9E] =	sst s1;
	(tag) =	ssettag s2;
	_ =	strace s9  }
0x27: {  	s1 =	sld [smem:$0x3FAE]  }
0x28: {  	s2 =	sld [smem:$0x3FAF]  }
0x29: {  	s4 =	sld [smem:$0x3FB1]  }
0x2a: {  	p0 =	seq.s32 s5, $0x0;
	s5 =	sld [smem:$0x3FB2]  }
0x2b: {  	s6 =	sld [smem:$0x3FB3]  }
0x2c: {  	s7 =	sld [smem:$0x3FB4]  }
0x2d: {  	s3 =	simm.s32 $0x108;
	s8 =	sld [smem:$0x3FB5]  }
0x2e: {  	s3 =	simm.s32 @!p0 $0x1082;
	s9 =	sld [smem:$0x3FB6]  }
0x2f: {  	lr =	sadd.s32 s0, s3;
	s0 =	sld [smem:$0x3FAD]  }
0x30: {  	s3 =	sld [smem:$0x3FB0]  }
0x31: {  	[smem:$0x3FB9] =	sst s10  }
0x32: {  	s10 =	sld [smem:$0x3FB7];
	_ =	sdelay $0x3  }
0x33: {  	p0 =	seq.s32 s10, $0x1;
	s10 =	sld [smem:$0x3FB9];
	_ =	sdelay $0x3  }
0x34: {  	[smem:$0x3FB9] =	sst s10  }
0x35: {  	s10 =	sld [smem:$0x3FB8];
	_ =	sdelay $0x3  }
0x36: {  	p1 =	seq.s32 s10, $0x1;
	s10 =	sld [smem:$0x3FB9];
	_ =	sdelay $0x3  }
0x37: {  	[smem:$0x3FB9] =	sst s10  }
0x38: {  	s10 =	sld [smem:$0x3FBA]  }
0x39: {  	_ = 	snop;
	(pc) =	sbr.ind lr, $3  }
0x3a: {  	_ = 	snop  }
0x3b: {  	_ = 	snop  }
0x3c: {  	p2 =	seq.s32 s10, $0x1;
	s10 =	sld [smem:$0x3FB9]  }
0x3d: {  	_ =	shalt  }
0x3e: {  	_ =	shalt  }
0x3f: {  	_ =	shalt  }
0x40: {  	_ =	shalt  }
0x41: {  	_ =	shalt  }
0x42: {  	_ =	shalt  }
0x43: {  	_ =	shalt  }
0x44: {  	_ =	shalt  }
0x45: {  	_ =	shalt  }
0x46: {  	_ =	shalt  }
0x47: {  	_ =	shalt  }
0x48: {  	_ =	shalt  }
0x49: {  	_ =	shalt  }
0x4a: {  	_ =	shalt  }
0x4b: {  	_ =	shalt  }
0x4c: {  	_ =	shalt  }
0x4d: {  	_ =	shalt  }
0x4e: {  	_ =	shalt  }
0x4f: {  	_ =	shalt  }
0x50: {  	_ =	shalt  }
0x51: {  	_ =	shalt  }
0x52: {  	_ =	shalt  }
0x53: {  	_ =	shalt  }
0x54: {  	_ =	shalt  }
0x55: {  	_ =	shalt  }
0x56: {  	_ =	shalt  }
0x57: {  	_ =	shalt  }
0x58: {  	_ =	shalt  }
0x59: {  	_ =	shalt  }
0x5a: {  	_ =	shalt  }
0x5b: {  	_ =	shalt  }
0x5c: {  	_ =	shalt  }
0x5d: {  	_ =	shalt  }
0x5e: {  	_ =	shalt  }
0x5f: {  	_ =	shalt  }
0x60: {  	_ =	shalt  }
0x61: {  	_ =	shalt  }
0x62: {  	_ =	shalt  }
0x63: {  	_ =	shalt  }
0x64: {  	_ =	shalt  }
0x65: {  	_ =	shalt  }
0x66: {  	_ =	shalt  }
0x67: {  	_ =	shalt  }
0x68: {  	_ =	shalt  }
0x69: {  	_ =	shalt  }
0x6a: {  	_ =	shalt  }
0x6b: {  	_ =	shalt  }
0x6c: {  	_ =	shalt  }
0x6d: {  	_ =	shalt  }
0x6e: {  	_ =	shalt  }
0x6f: {  	_ =	shalt  }
0x70: {  	_ =	shalt  }
0x71: {  	_ =	shalt  }
0x72: {  	_ =	shalt  }
0x73: {  	_ =	shalt  }
0x74: {  	_ =	shalt  }
0x75: {  	_ =	shalt  }
0x76: {  	_ =	shalt  }
0x77: {  	_ =	shalt  }
0x78: {  	_ =	shalt  }
0x79: {  	_ =	shalt  }
0x7a: {  	_ =	shalt  }
0x7b: {  	_ =	shalt  }
0x7c: {  	_ =	shalt  }
0x7d: {  	_ =	shalt  }
0x7e: {  	_ =	shalt  }
0x7f: {  	_ =	shalt  }
0x80: {  	_ =	shalt  }
0x81: {  	_ =	shalt  }
0x82: {  	_ =	shalt  }
0x83: {  	_ =	shalt  }
0x84: {  	_ =	shalt  }
0x85: {  	_ =	shalt  }
0x86: {  	_ =	shalt  }
0x87: {  	_ =	shalt  }
.Lfunc_end0:
.L_simem_size_0:
called_computation.2_lowered:
.L_overlay_start_0:
0x88: {  	s2 =	sld [smem:$0x3FD9]  }
0x89: {  	s3 =	sld [smem:$0x3FFE];
	_ =	sdelay $0x1  }
0x8a: {  	s1 =	srdreg.scid  }
0x8b: {  	s0 =	sand.u32 $0x1, s1  }
0x8c: {  	s14 =	sshll.u32 s0, $0xA;
	s2 =	sadd.s32 s3, s2  }
0x8d: {  	s2 =	sadd.s32 s2, s14  }
0x8e: {  	[smem:$0x3FC5] =	sst s2  }
0x8f: {  	_ = 	snop  }
0x90: {  	s2 =	sld [smem:$0x3FD0];
	_ =	sdelay $0x2  }
0x91: {  	s4 =	simm.s32 $0xB;
	s5 =	simm.s32 $0x10;
	s15 =	sld [smem:$0x3FC7]  }
0x92: {  	[smem:s5], [sflag:s4] =	dma.local [hbm:s2], $0x1  }
0x93: {  	_ =	swait.eq [sflag:s4], $0x1  }
0x94: {  	[sflag:s4] =	ssyncset.done $0x0  }
0x95: {  	[sflag:s4] =	ssyncadd.s32 $0xFFFFFFFF  }
0x96: {  	s16 =	sld [smem:$0x10];
	(tm) =	ssettm $0x1  }
0x97: {  	s17 =	sld [smem:$0x3FFB];
	_ =	sdelay $0x3  }
0x98: {  	_ =	strace s17  }
0x99: {  	s4 =	sld [smem:$0x3FFC];
	_ =	sdelay $0x3  }
0x9a: {  	_ =	strace s4  }
0x9b: {  	s4 =	sld [smem:$0x3FFD];
	_ =	sdelay $0x3  }
0x9c: {  	_ =	strace s4  }
0x9d: {  	_ =	strace $0x8FFFFFFF  }
0x9e: {  	s18 =	sld [smem:$0x3FDB];
	_ =	sdelay $0x1  }
0x9f: {  	s19 =	simm.s32 $_scs_section_size  }
0xa0: {  	s6 =	simm.s32 $_size__tile_overlayer_lowered;
	s7 =	simm.s32 $_tile_overlayer_lowered  }
0xa1: {  	s22 =	simm.s32 $0x1BFF;
	s21 =	sshll.u32 s7, $0x1;
	s4 =	sadd.s32 s19, s18  }
0xa2: {  	s8 =	simm.s32 $0x0;
	s20 =	sshll.u32 s6, $0x1;
	s6 =	sadd.s32 s21, s4  }
0xa3: {  	[timem:s8], [sflag:s22] =	dma.local [hbm:s6], s20  }
0xa4: {  	_ =	swait.ge [sflag:s22], s20  }
0xa5: {  	s5 =	ssub.s32 $0x0, s20;
	[sflag:s22] =	ssyncset.done $0x0  }
0xa6: {  	[sflag:s22] =	ssyncadd.s32 s5;
	_ =	sdelay $0x1  }
0xa7: {  	s23 =	simm.s32 $0x1B8B  }
0xa8: {  	_ =	swait.ge [sflag:s23], $0x1  }
0xa9: {  	[sflag:s23] =	ssyncset.done $0x0  }
0xaa: {  	s25 =	simm.s32 $0x1B8E;
	s24 =	sld [smem:$0x3FFE];
	[sflag:s23] =	ssyncadd.s32 $0xFFFFFFFF  }
0xab: {  	s26 =	simm.s32 $execute0_lowered;
	[smem:$0x3FD2] =	sst s25  }
0xac: {  	s6 =	sshll.u32 s26, $0x1;
	_ =	strace $0x80000049;
	[dreg:$0x1] =	wrdreg $0xFFFFFFFF  }
0xad: {  	s28 =	simm.s32 $_size_execute0_lowered;
	s4 =	sadd.s32 s4, s6;
	[dreg:$0x0] =	wrdreg $0x0  }
0xae: {  	s6 =	sshll.u32 s28, $0x1;
	[dreg:$0x2] =	wrdreg s4  }
0xaf: {  	[dreg:$0x3] =	wrdreg s6  }
0xb0: {  	[dreg:$0x4] =	wrdreg $0xC0  }
0xb1: {  	_ =	task [dreg:s8], $0x5FFFF  }
0xb2: {  	[dreg:$0x1] =	wrdreg $0xFFFFFFFF  }
0xb3: {  	[dreg:$0x0] =	wrdreg $0x60  }
0xb4: {  	[dreg:$0x2] =	wrdreg s15  }
0xb5: {  	[dreg:$0x3] =	wrdreg s16  }
0xb6: {  	[dreg:$0x4] =	wrdreg s24  }
0xb7: {  	[dreg:$0x5] =	wrdreg $0x9  }
0xb8: {  	_ =	task.clear_ibuf [dreg:s8], $0x6FFFF;
	_ =	strace $0x90000049  }
0xb9: {  	s29 =	simm.s32 $0x9;
	_ =	strace $0x8000004B  }
0xba: {  	_ =	swait.ge [sflag:s29], $0x1  }
0xbb: {  	[sflag:s29] =	ssyncadd.s32 $0xFFFFFFFF  }
0xbc: {  	_ =	strace $0x9000004B  }
0xbd: {  	_ =	sfence  }
0xbe: {  	s30 =	sld [smem:$0x0];
	_ =	sdelay $0x2  }
0xbf: {  	s31 =	sshll.u32 s1, $0xD;
	s1 =	sshrl.u32 s1, $0x2  }
0xc0: {  	s3 =	sand.u32 $0x4000, s31;
	s1 =	sadd.s32 s1, s30  }
0xc1: {  	s0 =	sor.u32 s3, s0;
	s1 =	sshll.u32 s1, $0x11  }
0xc2: {  	s0 =	sor.u32 s1, s0  }
0xc3: {  	s0 =	sadd.s32 $0x8F2B, s0  }
0xc4: {  	[sflag:s0] =	ssyncadd.remote.s32 $0x1  }
0xc5: {  	_ =	sfence.sel $0xFFFF  }
0xc6: {  	[dreg:$0x0] =	wrdreg $0xFFFFFFFF;
	(pc) =	sbr.abs _section_cstart, $3  }
0xc7: {  	[dreg:$0x1] =	wrdreg $0xFFFFFFFF  }
0xc8: {  	_ =	task.clear_ibuf [dreg:s8], $0x2FFFF;
	_ =	strace $0x9FFFFFFF  }
0xc9: {  	(tm) =	ssettm $0x7FFFFFFF  }
tec
execute0_lowered:
.L_overlay_start_1:
0x0: {  	(tag) =	ssettag $0x1  }
0x1: {  	s2 =	rddreg [dreg:$0x0]  }
0x2: {  	s1 =	srdreg.scid;
	s3 =	rddreg [dreg:$0x1]  }
0x3: {  	s0 =	stileid.u32;
	s4 =	rddreg [dreg:$0x2];
	s1 =	sshll.u32 s1, $0x5  }
0x4: {  	s6 =	simm.s32 $0x1;
	s5 =	sshll.u32 s0, $0x6;
	s1 =	sand.u32 $0x20, s1  }
0x5: {  	s9 =	simm.s32 $0x1;
	s10 =	simm.s32 $0x3;
	s5 =	sor.u32 s5, s1  }
0x6: {  	s13 =	simm.s32 $0x0;
	s1 =	rddreg [dreg:$0x3];
	s8 =	ssub.s32 $0x640, s5  }
.Ltmp0:
0x7: {  	_ =	strace $0x8000004A;
	s7 =	sand.u32 $0x3E0, s8;
	(pc) =	sbr.rel .LBB2_1-.Ltmp0, $4  }
0x8: {  	s12 =	simm.s32 $0x0;
	[sflag:s6] =	ssyncpa.u1 $0x0;
	p0 =	sne.s32 s7, $0x0  }
0x9: {  	s8 =	sshrl.u32 s8, $0xA;
	s7 =	simm.s32 $0x2;
	s9 =	simm.s32 @!p0 $0x0  }
0xa: {  	s11 =	smov.u32 s5;
	[sflag:s7] =	ssyncpa.u1 $0x0;
	s8 =	sadd.s32 s9, s8  }
0xb: {  	vm0 =	vmmov $0xffff;
	[sflag:s10] =	ssyncpa.u1 $0x0;
	s10 =	simm.s32 $0x0;
	s9 =	sadd.s32 $0x1, s8  }
.LBB2_5:
0xc: {  	s15 =	sadd.s32 $0x400, s11  }
0xd: {  	p1 =	sgt.s32 s15, $0x63F  }
0xe: {  	s15 =	smov.u32 @p1 s5;
	p1 =	sne.s32 s12, s9  }
.Ltmp1:
0xf: {  	p0 =	slt.u32 s12, $0x2;
	(pc) =	sbr.rel @!p1 .LBB2_6-.Ltmp1, $4  }
0x10: {  	s14 =	simm.s32 @!p0 $0x3  }
0x11: {  	_ =	swait.ge @!p0 [sflag:s14], $0x20  }
0x12: {  	s16 =	sadd.s32 $0x1, s12;
	s13 =	smov.u32 s11;
	[sflag:s14] =	ssyncset.done @!p0 $0x0  }
0x13: {  	s12 =	smov.u32 s16;
	s11 =	smov.u32 s15;
	[sflag:s14] =	ssyncadd.s32 @!p0 $0xFFFFFFE0  }
.LBB2_1:
0x14: {  	p0 =	sge.u32 s12, s8  }
0x15: {  	s14 =	sxor.u32 @!p0 $0xFFFFFFFF, s12  }
0x16: {  	s31 =	sadd.s32 $0xFFFFFFFF, s12;
	s15 =	sshrl.u32 @!p0 s11, $0x3;
	s14 =	sshll.u32 @!p0 s14, $0x5  }
0x17: {  	s16 =	sand.u32 @!p0 $0x7, s11;
	s15 =	sadd.s32 @!p0 s3, s15;
	s14 =	sand.u32 @!p0 $0x20, s14  }
0x18: {  	[tilespmem:s14], [sflag:$0x2] =	stream.linear.gather @!p0 [hbm4b:s15+s16], $0x20, $0x38;
	[tilespmem:$0x80] =	vst v63  }
0x19: {  	p0 =	sge.u32 s31, s8  }
.Ltmp2:
0x1a: {  	_ = 	snop;
	(pc) =	sbr.rel @p0 .LBB2_5-.Ltmp2, $1  }
0x1b: {  	_ =	sdelay $0x3  }
0x1c: {  	_ =	swait.ge [sflag:s7], $0x20;
	s14 =	sshll.u32 s12, $0x5;
	s16 =	simm.s32 $0x0  }
0x1d: {  	p0 =	por $0x1, $0x1;
	[sflag:s7] =	ssyncset.done $0x0;
	s15 =	sand.u32 $0x20, s14  }
0x1e: {  	[sflag:s7] =	ssyncadd.s32 $0xFFFFFFE0;
	(ifvalue) =	ssetifvalue $0x7FFFFFFF;
	s14 =	sor.u32 $0x40, s15  }
.LBB2_3:
0x1f: {  	s17 =	sadd.s32 s16, s15  }
0x20: {  	v0 =	vld.msk [tilespmem:s17+$0x0 ss:$0x1], $0xffff;
	_ =	sdelay $0x4  }
0x21: {  	vm1 =	veq.s32 v0, $0x80000000;
	v1 =	vshrl.u32 v0, $0xC  }
0x22: {  	v2 =	vshll.u32 v0, $0xF;
	v3 =	vshll.u32 v0, $0xA;
	v0 =	vshll.u32 v0, $0x2  }
0x23: {  	v2 =	vand.u32 $0x78000, v2;
	v3 =	vand.u32 $0x4000, v3;
	v0 =	vand.u32 $0x3F80, v0  }
0x24: {  	v1 =	vand.u32 $0x7F, v1;
	v2 =	vor.u32 v3, v2;
	v0 =	vsel vm1, $0xFFFFFF80, v0  }
0x25: {  	v1 =	vsel vm1, $0xFFFFFFFF, v1;
	v2 =	vsel vm1, $0xFFFF4000, v2;
	v62 =	vand.u32 $0xFFFFFC00, v0  }
0x26: {  	v63 =	vand.u32 $0xFFFFFC00, v1;
	v2 =	vadd.s32 v62, v2  }
0x27: {  	v0 =	vand.u32 $0x380, v0;
	v2 =	vadd.s32 v63, v2  }
0x28: {  	v1 =	vand.u32 $0x7F, v1;
	v0 =	vor.u32 v0, v2  }
0x29: {  	p1 =	por p0, p0;
	v0 =	vor.u32 v1, v0  }
.Ltmp3:
0x2a: {  	_ = 	snop;
	(pc) =	sbr.rel @p1 .LBB2_3-.Ltmp3, $4  }
0x2b: {  	_ = 	snop  }
0x2c: {  	s31 =	sadd.s32 s16, s14  }
0x2d: {  	s16 =	simm.s32 $0x10;
	p0 =	por $0x0, $0x0;
	(ifvalue) =	ssetifvalue $0x7FFFFFFF  }
0x2e: {  	[tilespmem:s31], [sflag:$0x1] =	stream.indirect_vreg.gather [hbm4b:s2+s10], $0x1, v0, vm0, $0x4038;
	[tilespmem:$0x80] =	vst v63  }
.Ltmp4:
0x2f: {  	(pc) =	sbr.rel .LBB2_5-.Ltmp4, $4  }
0x30: {  	_ =	swait.ge [sflag:s6], $0x20  }
0x31: {  	s15 =	sshrl.u32 s13, $0x3;
	[sflag:s6] =	ssyncset.done $0x0  }
0x32: {  	s31 =	sand.u32 $0x7, s13;
	s15 =	sadd.s32 s4, s15;
	[sflag:s6] =	ssyncadd.s32 $0xFFFFFFE0  }
0x33: {  	[hbm4b:s15+s31] =	stream.linear.scatter [tilespmem:s14], [sflag:$0x3], $0x20, $0x38;
	[tilespmem:$0x80] =	vst v63  }
.LBB2_6:
0x34: {  	_ =	sfence.sel $0x180000  }
0x35: {  	s2 =	simm.s32 $0x2;
	[bflag:$0x0] =	sbarrier.arrive $0xFFFF  }
0x36: {  	s30 =	simm.s32 $0x3;
	[sflag:s2] =	ssyncpa.u1 $0x1  }
0x37: {  	s31 =	simm.s32 $0x1;
	[sflag:s30] =	ssyncpa.u1 $0x1  }
0x38: {  	[sflag:s31] =	ssyncpa.u1 $0x1  }
0x39: {  	p0 =	sne.s32 s0, $0x0;
	_ =	strace $0x9000004A  }
0x3a: {  	s0 =	sadd.s32 @!p0 $0x100000, s1;
	[bflag:$0x2] =	sbarrier.arrive $0xFFFF  }
0x3b: {  	[sflag:s0] =	ssyncadd.tile.s32 @!p0 $0x1;
	_ =	shalt  }
.Lfunc_end2:
_tile_overlayer_lowered:
.L_overlay_start_2:
0x3c: {  	(tag) =	ssettag $0x2  }
0x3d: {  	s0 =	rddreg [dreg:$0x0];
	s2 =	stileid.u32  }
0x3e: {  	s1 =	rddreg [dreg:$0x1];
	p0 =	sne.s32 s2, $0x0  }
0x3f: {  	s3 =	rddreg [dreg:$0x2];
	[bflag:$0x3] =	sbarrier.arrive $0xFFFF;
	s2 =	simm.s32 @!p0 $0x1C01  }
0x40: {  	[timem:s3], [sflag:s2] =	dma.local @!p0 [hbm:s0], s1  }
0x41: {  	s0 =	simm.s32 @!p0 $0x1  }
0x42: {  	_ =	swait.ge @!p0 [sflag:s0], s1  }
0x43: {  	s1 =	ssub.s32 @!p0 $0x0, s1;
	[sflag:s0] =	ssyncset.done @!p0 $0x0  }
0x44: {  	[sflag:s0] =	ssyncadd.s32 @!p0 s1  }
0x45: {  	[bflag:$0x3] =	sbarrier.arrive $0xFFFF  }
0x46: {  	_ =	shalt  }

// kernel: gather_offload_async_start.3
scs
__scs_entry_jumppad:
0x0: {  	(pc) =	sbr.rel $0x88, $3  }
0x1: {  	(tag) =	ssettag $0x0;
	lr =	simm.s32 $0x1  }
0x2: {  	[smem:$0x3F9E] =	sst lr;
	_ =	strace $0xD0000000  }
0x3: {  	_ = 	snop  }
0x4: {  	_ = 	snop  }
0x5: {  	_ = 	snop  }
0x6: {  	_ = 	snop  }
0x7: {  	_ = 	snop  }
__scs_overlays_trampoline_lowered:
0x8: {  	[smem:$0x3FAD] =	sst s0  }
0x9: {  	[smem:$0x3FAE] =	sst s1  }
0xa: {  	[smem:$0x3FAF] =	sst s2  }
0xb: {  	[smem:$0x3FB0] =	sst s3  }
0xc: {  	[smem:$0x3FB1] =	sst s4  }
0xd: {  	[smem:$0x3FB2] =	sst s5  }
0xe: {  	[smem:$0x3FB3] =	sst s6  }
0xf: {  	[smem:$0x3FB4] =	sst s7  }
0x10: {  	[smem:$0x3FB5] =	sst s8  }
0x11: {  	[smem:$0x3FB6] =	sst s9;
	s0 =	simm.s32 @!p0 $0x0  }
0x12: {  	s1 =	sld [smem:$0x3F9C];
	s0 =	simm.s32 @p0 $0x1  }
0x13: {  	[smem:$0x3FB7] =	sst s0;
	s0 =	simm.s32 @!p1 $0x0  }
0x14: {  	s2 =	sld [smem:$0x3F9B];
	s0 =	simm.s32 @p1 $0x1  }
0x15: {  	[smem:$0x3FB8] =	sst s0;
	s0 =	simm.s32 @!p2 $0x0  }
0x16: {  	s3 =	sld [smem:$0x3FDB];
	s0 =	simm.s32 @p2 $0x1  }
0x17: {  	s4 =	simm.s32 $0x1BF5;
	[smem:$0x3FBA] =	sst s0  }
0x18: {  	s0 =	sld [smem:$0x3F9D];
	_ =	swait.ge [sflag:s4], $0x0  }
0x19: {  	s7 =	sld [smem:$0x3F9E]  }
0x1a: {  	s8 =	sadd.s32 $0xFFFFE003, lr  }
0x1b: {  	s9 =	sadd.s32 $0xFFFFFEF7, lr;
	s5 =	simm.s32 $0xFFFFFFFF;
	p2 =	slt.u32 s8, $0xFFFFF086  }
0x1c: {  	p1 =	slt.u32 s9, $0xF7A;
	s5 =	simm.s32 @!p2 $0x0  }
0x1d: {  	s5 =	simm.s32 @p1 $0x1;
	p0 =	seq.s32 s7, s2  }
0x1e: {  	s7 =	smul.u32 @!p0 $0xF7A, s2;
	p2 =	seq.s32 @!p0 s5, $0x0  }
0x1f: {  	s9 =	smul.u32 $0xF7A, s1;
	s8 =	simm.s32 @!p0 $0x1BF5;
	p2 =	por !p2, p0  }
0x20: {  	[sflag:s8] =	ssyncset.s32 @!p0 $0xFFFFF086;
	s6 =	sadd.s32 @!p0 s3, s7;
	s7 =	simm.s32 @!p0 $0x108  }
0x21: {  	s3 =	sadd.s32 s3, s9;
	s6 =	sadd.s32 @!p0 $0x88, s6;
	s7 =	simm.s32 @p2 $0x1082  }
0x22: {  	[simem:s7], [sflag:s8] =	dma.local @!p0 [hbm:s6], $0xF7A  }
0x23: {  	s9 =	sor.u32 $0xD0000000, s2;
	s6 =	simm.s32 $0x108;
	_ =	swait.ge @!p0 [sflag:s8], $0x0  }
0x24: {  	s3 =	sadd.s32 $0x88, s3;
	s6 =	simm.s32 @!p1 $0x1082;
	[sflag:s4] =	ssyncset.s32 $0xFFFFF086  }
0x25: {  	[simem:s6], [sflag:s4] =	dma.local [hbm:s3], $0xF7A  }
0x26: {  	[smem:$0x3F9E] =	sst s1;
	(tag) =	ssettag s2;
	_ =	strace s9  }
0x27: {  	s1 =	sld [smem:$0x3FAE]  }
0x28: {  	s2 =	sld [smem:$0x3FAF]  }
0x29: {  	s4 =	sld [smem:$0x3FB1]  }
0x2a: {  	p0 =	seq.s32 s5, $0x0;
	s5 =	sld [smem:$0x3FB2]  }
0x2b: {  	s6 =	sld [smem:$0x3FB3]  }
0x2c: {  	s7 =	sld [smem:$0x3FB4]  }
0x2d: {  	s3 =	simm.s32 $0x108;
	s8 =	sld [smem:$0x3FB5]  }
0x2e: {  	s3 =	simm.s32 @!p0 $0x1082;
	s9 =	sld [smem:$0x3FB6]  }
0x2f: {  	lr =	sadd.s32 s0, s3;
	s0 =	sld [smem:$0x3FAD]  }
0x30: {  	s3 =	sld [smem:$0x3FB0]  }
0x31: {  	[smem:$0x3FB9] =	sst s10  }
0x32: {  	s10 =	sld [smem:$0x3FB7];
	_ =	sdelay $0x3  }
0x33: {  	p0 =	seq.s32 s10, $0x1;
	s10 =	sld [smem:$0x3FB9];
	_ =	sdelay $0x3  }
0x34: {  	[smem:$0x3FB9] =	sst s10  }
0x35: {  	s10 =	sld [smem:$0x3FB8];
	_ =	sdelay $0x3  }
0x36: {  	p1 =	seq.s32 s10, $0x1;
	s10 =	sld [smem:$0x3FB9];
	_ =	sdelay $0x3  }
0x37: {  	[smem:$0x3FB9] =	sst s10  }
0x38: {  	s10 =	sld [smem:$0x3FBA]  }
0x39: {  	_ = 	snop;
	(pc) =	sbr.ind lr, $3  }
0x3a: {  	_ = 	snop  }
0x3b: {  	_ = 	snop  }
0x3c: {  	p2 =	seq.s32 s10, $0x1;
	s10 =	sld [smem:$0x3FB9]  }
0x3d: {  	_ =	shalt  }
0x3e: {  	_ =	shalt  }
0x3f: {  	_ =	shalt  }
0x40: {  	_ =	shalt  }
0x41: {  	_ =	shalt  }
0x42: {  	_ =	shalt  }
0x43: {  	_ =	shalt  }
0x44: {  	_ =	shalt  }
0x45: {  	_ =	shalt  }
0x46: {  	_ =	shalt  }
0x47: {  	_ =	shalt  }
0x48: {  	_ =	shalt  }
0x49: {  	_ =	shalt  }
0x4a: {  	_ =	shalt  }
0x4b: {  	_ =	shalt  }
0x4c: {  	_ =	shalt  }
0x4d: {  	_ =	shalt  }
0x4e: {  	_ =	shalt  }
0x4f: {  	_ =	shalt  }
0x50: {  	_ =	shalt  }
0x51: {  	_ =	shalt  }
0x52: {  	_ =	shalt  }
0x53: {  	_ =	shalt  }
0x54: {  	_ =	shalt  }
0x55: {  	_ =	shalt  }
0x56: {  	_ =	shalt  }
0x57: {  	_ =	shalt  }
0x58: {  	_ =	shalt  }
0x59: {  	_ =	shalt  }
0x5a: {  	_ =	shalt  }
0x5b: {  	_ =	shalt  }
0x5c: {  	_ =	shalt  }
0x5d: {  	_ =	shalt  }
0x5e: {  	_ =	shalt  }
0x5f: {  	_ =	shalt  }
0x60: {  	_ =	shalt  }
0x61: {  	_ =	shalt  }
0x62: {  	_ =	shalt  }
0x63: {  	_ =	shalt  }
0x64: {  	_ =	shalt  }
0x65: {  	_ =	shalt  }
0x66: {  	_ =	shalt  }
0x67: {  	_ =	shalt  }
0x68: {  	_ =	shalt  }
0x69: {  	_ =	shalt  }
0x6a: {  	_ =	shalt  }
0x6b: {  	_ =	shalt  }
0x6c: {  	_ =	shalt  }
0x6d: {  	_ =	shalt  }
0x6e: {  	_ =	shalt  }
0x6f: {  	_ =	shalt  }
0x70: {  	_ =	shalt  }
0x71: {  	_ =	shalt  }
0x72: {  	_ =	shalt  }
0x73: {  	_ =	shalt  }
0x74: {  	_ =	shalt  }
0x75: {  	_ =	shalt  }
0x76: {  	_ =	shalt  }
0x77: {  	_ =	shalt  }
0x78: {  	_ =	shalt  }
0x79: {  	_ =	shalt  }
0x7a: {  	_ =	shalt  }
0x7b: {  	_ =	shalt  }
0x7c: {  	_ =	shalt  }
0x7d: {  	_ =	shalt  }
0x7e: {  	_ =	shalt  }
0x7f: {  	_ =	shalt  }
0x80: {  	_ =	shalt  }
0x81: {  	_ =	shalt  }
0x82: {  	_ =	shalt  }
0x83: {  	_ =	shalt  }
0x84: {  	_ =	shalt  }
0x85: {  	_ =	shalt  }
0x86: {  	_ =	shalt  }
0x87: {  	_ =	shalt  }
.Lfunc_end0:
.L_simem_size_0:
called_computation.3_lowered:
.L_overlay_start_0:
0x88: {  	s2 =	sld [smem:$0x3FD9]  }
0x89: {  	s3 =	sld [smem:$0x3FFE];
	_ =	sdelay $0x1  }
0x8a: {  	s1 =	srdreg.scid  }
0x8b: {  	s0 =	sand.u32 $0x1, s1  }
0x8c: {  	s14 =	sshll.u32 s0, $0xA;
	s2 =	sadd.s32 s3, s2  }
0x8d: {  	s2 =	sadd.s32 s2, s14  }
0x8e: {  	[smem:$0x3FC5] =	sst s2  }
0x8f: {  	_ = 	snop  }
0x90: {  	s2 =	sld [smem:$0x3FD0];
	_ =	sdelay $0x2  }
0x91: {  	s4 =	simm.s32 $0xB;
	s5 =	simm.s32 $0x10;
	s15 =	sld [smem:$0x3FC7]  }
0x92: {  	[smem:s5], [sflag:s4] =	dma.local [hbm:s2], $0x1  }
0x93: {  	_ =	swait.eq [sflag:s4], $0x1  }
0x94: {  	[sflag:s4] =	ssyncset.done $0x0  }
0x95: {  	[sflag:s4] =	ssyncadd.s32 $0xFFFFFFFF  }
0x96: {  	s16 =	sld [smem:$0x12];
	(tm) =	ssettm $0x1  }
0x97: {  	s17 =	sld [smem:$0x3FFB];
	_ =	sdelay $0x3  }
0x98: {  	_ =	strace s17  }
0x99: {  	s4 =	sld [smem:$0x3FFC];
	_ =	sdelay $0x3  }
0x9a: {  	_ =	strace s4  }
0x9b: {  	s4 =	sld [smem:$0x3FFD];
	_ =	sdelay $0x3  }
0x9c: {  	_ =	strace s4  }
0x9d: {  	_ =	strace $0x8FFFFFFF  }
0x9e: {  	s18 =	sld [smem:$0x3FDB];
	_ =	sdelay $0x1  }
0x9f: {  	s19 =	simm.s32 $_scs_section_size  }
0xa0: {  	s6 =	simm.s32 $_size__tile_overlayer_lowered;
	s7 =	simm.s32 $_tile_overlayer_lowered  }
0xa1: {  	s22 =	simm.s32 $0x1BFF;
	s21 =	sshll.u32 s7, $0x1;
	s4 =	sadd.s32 s19, s18  }
0xa2: {  	s8 =	simm.s32 $0x0;
	s20 =	sshll.u32 s6, $0x1;
	s6 =	sadd.s32 s21, s4  }
0xa3: {  	[timem:s8], [sflag:s22] =	dma.local [hbm:s6], s20  }
0xa4: {  	_ =	swait.ge [sflag:s22], s20  }
0xa5: {  	s5 =	ssub.s32 $0x0, s20;
	[sflag:s22] =	ssyncset.done $0x0  }
0xa6: {  	[sflag:s22] =	ssyncadd.s32 s5;
	_ =	sdelay $0x1  }
0xa7: {  	s23 =	simm.s32 $0x1B8B  }
0xa8: {  	_ =	swait.ge [sflag:s23], $0x1  }
0xa9: {  	[sflag:s23] =	ssyncset.done $0x0  }
0xaa: {  	s25 =	simm.s32 $0x1B8E;
	s24 =	sld [smem:$0x3FFE];
	[sflag:s23] =	ssyncadd.s32 $0xFFFFFFFF  }
0xab: {  	s26 =	simm.s32 $execute0_lowered;
	[smem:$0x3FD2] =	sst s25  }
0xac: {  	s6 =	sshll.u32 s26, $0x1;
	_ =	strace $0x80000046;
	[dreg:$0x1] =	wrdreg $0xFFFFFFFF  }
0xad: {  	s28 =	simm.s32 $_size_execute0_lowered;
	s4 =	sadd.s32 s4, s6;
	[dreg:$0x0] =	wrdreg $0x0  }
0xae: {  	s6 =	sshll.u32 s28, $0x1;
	[dreg:$0x2] =	wrdreg s4  }
0xaf: {  	[dreg:$0x3] =	wrdreg s6  }
0xb0: {  	[dreg:$0x4] =	wrdreg $0xC0  }
0xb1: {  	_ =	task [dreg:s8], $0x5FFFF  }
0xb2: {  	[dreg:$0x1] =	wrdreg $0xFFFFFFFF  }
0xb3: {  	[dreg:$0x0] =	wrdreg $0x60  }
0xb4: {  	[dreg:$0x2] =	wrdreg s15  }
0xb5: {  	[dreg:$0x3] =	wrdreg s16  }
0xb6: {  	[dreg:$0x4] =	wrdreg s24  }
0xb7: {  	[dreg:$0x5] =	wrdreg $0x9  }
0xb8: {  	_ =	task.clear_ibuf [dreg:s8], $0x6FFFF;
	_ =	strace $0x90000046  }
0xb9: {  	s29 =	simm.s32 $0x9;
	_ =	strace $0x80000048  }
0xba: {  	_ =	swait.ge [sflag:s29], $0x1  }
0xbb: {  	[sflag:s29] =	ssyncadd.s32 $0xFFFFFFFF  }
0xbc: {  	_ =	strace $0x90000048  }
0xbd: {  	_ =	sfence  }
0xbe: {  	s30 =	sld [smem:$0x0];
	_ =	sdelay $0x2  }
0xbf: {  	s31 =	sshll.u32 s1, $0xD;
	s1 =	sshrl.u32 s1, $0x2  }
0xc0: {  	s3 =	sand.u32 $0x4000, s31;
	s1 =	sadd.s32 s1, s30  }
0xc1: {  	s0 =	sor.u32 s3, s0;
	s1 =	sshll.u32 s1, $0x11  }
0xc2: {  	s0 =	sor.u32 s1, s0  }
0xc3: {  	s0 =	sadd.s32 $0x8F2B, s0  }
0xc4: {  	[sflag:s0] =	ssyncadd.remote.s32 $0x1  }
0xc5: {  	_ =	sfence.sel $0xFFFF  }
0xc6: {  	[dreg:$0x0] =	wrdreg $0xFFFFFFFF;
	(pc) =	sbr.abs _section_cstart, $3  }
0xc7: {  	[dreg:$0x1] =	wrdreg $0xFFFFFFFF  }
0xc8: {  	_ =	task.clear_ibuf [dreg:s8], $0x2FFFF;
	_ =	strace $0x9FFFFFFF  }
0xc9: {  	(tm) =	ssettm $0x7FFFFFFF  }
tec
execute0_lowered:
.L_overlay_start_1:
0x0: {  	(tag) =	ssettag $0x1  }
0x1: {  	s2 =	rddreg [dreg:$0x0]  }
0x2: {  	s1 =	srdreg.scid;
	s3 =	rddreg [dreg:$0x1]  }
0x3: {  	s0 =	stileid.u32;
	s4 =	rddreg [dreg:$0x2];
	s1 =	sshll.u32 s1, $0x5  }
0x4: {  	s6 =	simm.s32 $0x1;
	s5 =	sshll.u32 s0, $0x6;
	s1 =	sand.u32 $0x20, s1  }
0x5: {  	s9 =	simm.s32 $0x1;
	s10 =	simm.s32 $0x3;
	s5 =	sor.u32 s5, s1  }
0x6: {  	s13 =	simm.s32 $0x0;
	s1 =	rddreg [dreg:$0x3];
	s8 =	ssub.s32 $0x640, s5  }
.Ltmp0:
0x7: {  	_ =	strace $0x80000047;
	s7 =	sand.u32 $0x3E0, s8;
	(pc) =	sbr.rel .LBB2_1-.Ltmp0, $4  }
0x8: {  	s12 =	simm.s32 $0x0;
	[sflag:s6] =	ssyncpa.u1 $0x0;
	p0 =	sne.s32 s7, $0x0  }
0x9: {  	s8 =	sshrl.u32 s8, $0xA;
	s7 =	simm.s32 $0x2;
	s9 =	simm.s32 @!p0 $0x0  }
0xa: {  	s11 =	smov.u32 s5;
	[sflag:s7] =	ssyncpa.u1 $0x0;
	s8 =	sadd.s32 s9, s8  }
0xb: {  	vm0 =	vmmov $0xffff;
	[sflag:s10] =	ssyncpa.u1 $0x0;
	s10 =	simm.s32 $0x0;
	s9 =	sadd.s32 $0x1, s8  }
.LBB2_5:
0xc: {  	s15 =	sadd.s32 $0x400, s11  }
0xd: {  	p1 =	sgt.s32 s15, $0x63F  }
0xe: {  	s15 =	smov.u32 @p1 s5;
	p1 =	sne.s32 s12, s9  }
.Ltmp1:
0xf: {  	p0 =	slt.u32 s12, $0x2;
	(pc) =	sbr.rel @!p1 .LBB2_6-.Ltmp1, $4  }
0x10: {  	s14 =	simm.s32 @!p0 $0x3  }
0x11: {  	_ =	swait.ge @!p0 [sflag:s14], $0x20  }
0x12: {  	s16 =	sadd.s32 $0x1, s12;
	s13 =	smov.u32 s11;
	[sflag:s14] =	ssyncset.done @!p0 $0x0  }
0x13: {  	s12 =	smov.u32 s16;
	s11 =	smov.u32 s15;
	[sflag:s14] =	ssyncadd.s32 @!p0 $0xFFFFFFE0  }
.LBB2_1:
0x14: {  	p0 =	sge.u32 s12, s8  }
0x15: {  	s14 =	sxor.u32 @!p0 $0xFFFFFFFF, s12  }
0x16: {  	s31 =	sadd.s32 $0xFFFFFFFF, s12;
	s15 =	sshrl.u32 @!p0 s11, $0x3;
	s14 =	sshll.u32 @!p0 s14, $0x5  }
0x17: {  	s16 =	sand.u32 @!p0 $0x7, s11;
	s15 =	sadd.s32 @!p0 s3, s15;
	s14 =	sand.u32 @!p0 $0x20, s14  }
0x18: {  	[tilespmem:s14], [sflag:$0x2] =	stream.linear.gather @!p0 [hbm4b:s15+s16], $0x20, $0x38;
	[tilespmem:$0x80] =	vst v63  }
0x19: {  	p0 =	sge.u32 s31, s8  }
.Ltmp2:
0x1a: {  	_ = 	snop;
	(pc) =	sbr.rel @p0 .LBB2_5-.Ltmp2, $1  }
0x1b: {  	_ =	sdelay $0x3  }
0x1c: {  	_ =	swait.ge [sflag:s7], $0x20;
	s14 =	sshll.u32 s12, $0x5;
	s16 =	simm.s32 $0x0  }
0x1d: {  	p0 =	por $0x1, $0x1;
	[sflag:s7] =	ssyncset.done $0x0;
	s15 =	sand.u32 $0x20, s14  }
0x1e: {  	[sflag:s7] =	ssyncadd.s32 $0xFFFFFFE0;
	(ifvalue) =	ssetifvalue $0x7FFFFFFF;
	s14 =	sor.u32 $0x40, s15  }
.LBB2_3:
0x1f: {  	s17 =	sadd.s32 s16, s15  }
0x20: {  	v0 =	vld.msk [tilespmem:s17+$0x0 ss:$0x1], $0xffff;
	_ =	sdelay $0x4  }
0x21: {  	vm1 =	veq.s32 v0, $0x80000000;
	v1 =	vshrl.u32 v0, $0xC  }
0x22: {  	v2 =	vshll.u32 v0, $0xF;
	v3 =	vshll.u32 v0, $0xA;
	v0 =	vshll.u32 v0, $0x2  }
0x23: {  	v2 =	vand.u32 $0x78000, v2;
	v3 =	vand.u32 $0x4000, v3;
	v0 =	vand.u32 $0x3F80, v0  }
0x24: {  	v1 =	vand.u32 $0x7F, v1;
	v2 =	vor.u32 v3, v2;
	v0 =	vsel vm1, $0xFFFFFF80, v0  }
0x25: {  	v1 =	vsel vm1, $0xFFFFFFFF, v1;
	v2 =	vsel vm1, $0xFFFF4000, v2;
	v62 =	vand.u32 $0xFFFFFC00, v0  }
0x26: {  	v63 =	vand.u32 $0xFFFFFC00, v1;
	v2 =	vadd.s32 v62, v2  }
0x27: {  	v0 =	vand.u32 $0x380, v0;
	v2 =	vadd.s32 v63, v2  }
0x28: {  	v1 =	vand.u32 $0x7F, v1;
	v0 =	vor.u32 v0, v2  }
0x29: {  	p1 =	por p0, p0;
	v0 =	vor.u32 v1, v0  }
.Ltmp3:
0x2a: {  	_ = 	snop;
	(pc) =	sbr.rel @p1 .LBB2_3-.Ltmp3, $4  }
0x2b: {  	_ = 	snop  }
0x2c: {  	s31 =	sadd.s32 s16, s14  }
0x2d: {  	s16 =	simm.s32 $0x10;
	p0 =	por $0x0, $0x0;
	(ifvalue) =	ssetifvalue $0x7FFFFFFF  }
0x2e: {  	[tilespmem:s31], [sflag:$0x1] =	stream.indirect_vreg.gather [hbm4b:s2+s10], $0x1, v0, vm0, $0x4038;
	[tilespmem:$0x80] =	vst v63  }
.Ltmp4:
0x2f: {  	(pc) =	sbr.rel .LBB2_5-.Ltmp4, $4  }
0x30: {  	_ =	swait.ge [sflag:s6], $0x20  }
0x31: {  	s15 =	sshrl.u32 s13, $0x3;
	[sflag:s6] =	ssyncset.done $0x0  }
0x32: {  	s31 =	sand.u32 $0x7, s13;
	s15 =	sadd.s32 s4, s15;
	[sflag:s6] =	ssyncadd.s32 $0xFFFFFFE0  }
0x33: {  	[hbm4b:s15+s31] =	stream.linear.scatter [tilespmem:s14], [sflag:$0x3], $0x20, $0x38;
	[tilespmem:$0x80] =	vst v63  }
.LBB2_6:
0x34: {  	_ =	sfence.sel $0x180000  }
0x35: {  	s2 =	simm.s32 $0x2;
	[bflag:$0x0] =	sbarrier.arrive $0xFFFF  }
0x36: {  	s30 =	simm.s32 $0x3;
	[sflag:s2] =	ssyncpa.u1 $0x1  }
0x37: {  	s31 =	simm.s32 $0x1;
	[sflag:s30] =	ssyncpa.u1 $0x1  }
0x38: {  	[sflag:s31] =	ssyncpa.u1 $0x1  }
0x39: {  	p0 =	sne.s32 s0, $0x0;
	_ =	strace $0x90000047  }
0x3a: {  	s0 =	sadd.s32 @!p0 $0x100000, s1;
	[bflag:$0x2] =	sbarrier.arrive $0xFFFF  }
0x3b: {  	[sflag:s0] =	ssyncadd.tile.s32 @!p0 $0x1;
	_ =	shalt  }
.Lfunc_end2:
_tile_overlayer_lowered:
.L_overlay_start_2:
0x3c: {  	(tag) =	ssettag $0x2  }
0x3d: {  	s0 =	rddreg [dreg:$0x0];
	s2 =	stileid.u32  }
0x3e: {  	s1 =	rddreg [dreg:$0x1];
	p0 =	sne.s32 s2, $0x0  }
0x3f: {  	s3 =	rddreg [dreg:$0x2];
	[bflag:$0x3] =	sbarrier.arrive $0xFFFF;
	s2 =	simm.s32 @!p0 $0x1C01  }
0x40: {  	[timem:s3], [sflag:s2] =	dma.local @!p0 [hbm:s0], s1  }
0x41: {  	s0 =	simm.s32 @!p0 $0x1  }
0x42: {  	_ =	swait.ge @!p0 [sflag:s0], s1  }
0x43: {  	s1 =	ssub.s32 @!p0 $0x0, s1;
	[sflag:s0] =	ssyncset.done @!p0 $0x0  }
0x44: {  	[sflag:s0] =	ssyncadd.s32 @!p0 s1  }
0x45: {  	[bflag:$0x3] =	sbarrier.arrive $0xFFFF  }
0x46: {  	_ =	shalt  }

// kernel: gather_offload_async_start
scs
__scs_entry_jumppad:
0x0: {  	(pc) =	sbr.rel $0x88, $3  }
0x1: {  	(tag) =	ssettag $0x0;
	lr =	simm.s32 $0x1  }
0x2: {  	[smem:$0x3F9E] =	sst lr;
	_ =	strace $0xD0000000  }
0x3: {  	_ = 	snop  }
0x4: {  	_ = 	snop  }
0x5: {  	_ = 	snop  }
0x6: {  	_ = 	snop  }
0x7: {  	_ = 	snop  }
__scs_overlays_trampoline_lowered:
0x8: {  	[smem:$0x3FAD] =	sst s0  }
0x9: {  	[smem:$0x3FAE] =	sst s1  }
0xa: {  	[smem:$0x3FAF] =	sst s2  }
0xb: {  	[smem:$0x3FB0] =	sst s3  }
0xc: {  	[smem:$0x3FB1] =	sst s4  }
0xd: {  	[smem:$0x3FB2] =	sst s5  }
0xe: {  	[smem:$0x3FB3] =	sst s6  }
0xf: {  	[smem:$0x3FB4] =	sst s7  }
0x10: {  	[smem:$0x3FB5] =	sst s8  }
0x11: {  	[smem:$0x3FB6] =	sst s9;
	s0 =	simm.s32 @!p0 $0x0  }
0x12: {  	s1 =	sld [smem:$0x3F9C];
	s0 =	simm.s32 @p0 $0x1  }
0x13: {  	[smem:$0x3FB7] =	sst s0;
	s0 =	simm.s32 @!p1 $0x0  }
0x14: {  	s2 =	sld [smem:$0x3F9B];
	s0 =	simm.s32 @p1 $0x1  }
0x15: {  	[smem:$0x3FB8] =	sst s0;
	s0 =	simm.s32 @!p2 $0x0  }
0x16: {  	s3 =	sld [smem:$0x3FDB];
	s0 =	simm.s32 @p2 $0x1  }
0x17: {  	s4 =	simm.s32 $0x1BF5;
	[smem:$0x3FBA] =	sst s0  }
0x18: {  	s0 =	sld [smem:$0x3F9D];
	_ =	swait.ge [sflag:s4], $0x0  }
0x19: {  	s7 =	sld [smem:$0x3F9E]  }
0x1a: {  	s8 =	sadd.s32 $0xFFFFE003, lr  }
0x1b: {  	s9 =	sadd.s32 $0xFFFFFEF7, lr;
	s5 =	simm.s32 $0xFFFFFFFF;
	p2 =	slt.u32 s8, $0xFFFFF086  }
0x1c: {  	p1 =	slt.u32 s9, $0xF7A;
	s5 =	simm.s32 @!p2 $0x0  }
0x1d: {  	s5 =	simm.s32 @p1 $0x1;
	p0 =	seq.s32 s7, s2  }
0x1e: {  	s7 =	smul.u32 @!p0 $0xF7A, s2;
	p2 =	seq.s32 @!p0 s5, $0x0  }
0x1f: {  	s9 =	smul.u32 $0xF7A, s1;
	s8 =	simm.s32 @!p0 $0x1BF5;
	p2 =	por !p2, p0  }
0x20: {  	[sflag:s8] =	ssyncset.s32 @!p0 $0xFFFFF086;
	s6 =	sadd.s32 @!p0 s3, s7;
	s7 =	simm.s32 @!p0 $0x108  }
0x21: {  	s3 =	sadd.s32 s3, s9;
	s6 =	sadd.s32 @!p0 $0x88, s6;
	s7 =	simm.s32 @p2 $0x1082  }
0x22: {  	[simem:s7], [sflag:s8] =	dma.local @!p0 [hbm:s6], $0xF7A  }
0x23: {  	s9 =	sor.u32 $0xD0000000, s2;
	s6 =	simm.s32 $0x108;
	_ =	swait.ge @!p0 [sflag:s8], $0x0  }
0x24: {  	s3 =	sadd.s32 $0x88, s3;
	s6 =	simm.s32 @!p1 $0x1082;
	[sflag:s4] =	ssyncset.s32 $0xFFFFF086  }
0x25: {  	[simem:s6], [sflag:s4] =	dma.local [hbm:s3], $0xF7A  }
0x26: {  	[smem:$0x3F9E] =	sst s1;
	(tag) =	ssettag s2;
	_ =	strace s9  }
0x27: {  	s1 =	sld [smem:$0x3FAE]  }
0x28: {  	s2 =	sld [smem:$0x3FAF]  }
0x29: {  	s4 =	sld [smem:$0x3FB1]  }
0x2a: {  	p0 =	seq.s32 s5, $0x0;
	s5 =	sld [smem:$0x3FB2]  }
0x2b: {  	s6 =	sld [smem:$0x3FB3]  }
0x2c: {  	s7 =	sld [smem:$0x3FB4]  }
0x2d: {  	s3 =	simm.s32 $0x108;
	s8 =	sld [smem:$0x3FB5]  }
0x2e: {  	s3 =	simm.s32 @!p0 $0x1082;
	s9 =	sld [smem:$0x3FB6]  }
0x2f: {  	lr =	sadd.s32 s0, s3;
	s0 =	sld [smem:$0x3FAD]  }
0x30: {  	s3 =	sld [smem:$0x3FB0]  }
0x31: {  	[smem:$0x3FB9] =	sst s10  }
0x32: {  	s10 =	sld [smem:$0x3FB7];
	_ =	sdelay $0x3  }
0x33: {  	p0 =	seq.s32 s10, $0x1;
	s10 =	sld [smem:$0x3FB9];
	_ =	sdelay $0x3  }
0x34: {  	[smem:$0x3FB9] =	sst s10  }
0x35: {  	s10 =	sld [smem:$0x3FB8];
	_ =	sdelay $0x3  }
0x36: {  	p1 =	seq.s32 s10, $0x1;
	s10 =	sld [smem:$0x3FB9];
	_ =	sdelay $0x3  }
0x37: {  	[smem:$0x3FB9] =	sst s10  }
0x38: {  	s10 =	sld [smem:$0x3FBA]  }
0x39: {  	_ = 	snop;
	(pc) =	sbr.ind lr, $3  }
0x3a: {  	_ = 	snop  }
0x3b: {  	_ = 	snop  }
0x3c: {  	p2 =	seq.s32 s10, $0x1;
	s10 =	sld [smem:$0x3FB9]  }
0x3d: {  	_ =	shalt  }
0x3e: {  	_ =	shalt  }
0x3f: {  	_ =	shalt  }
0x40: {  	_ =	shalt  }
0x41: {  	_ =	shalt  }
0x42: {  	_ =	shalt  }
0x43: {  	_ =	shalt  }
0x44: {  	_ =	shalt  }
0x45: {  	_ =	shalt  }
0x46: {  	_ =	shalt  }
0x47: {  	_ =	shalt  }
0x48: {  	_ =	shalt  }
0x49: {  	_ =	shalt  }
0x4a: {  	_ =	shalt  }
0x4b: {  	_ =	shalt  }
0x4c: {  	_ =	shalt  }
0x4d: {  	_ =	shalt  }
0x4e: {  	_ =	shalt  }
0x4f: {  	_ =	shalt  }
0x50: {  	_ =	shalt  }
0x51: {  	_ =	shalt  }
0x52: {  	_ =	shalt  }
0x53: {  	_ =	shalt  }
0x54: {  	_ =	shalt  }
0x55: {  	_ =	shalt  }
0x56: {  	_ =	shalt  }
0x57: {  	_ =	shalt  }
0x58: {  	_ =	shalt  }
0x59: {  	_ =	shalt  }
0x5a: {  	_ =	shalt  }
0x5b: {  	_ =	shalt  }
0x5c: {  	_ =	shalt  }
0x5d: {  	_ =	shalt  }
0x5e: {  	_ =	shalt  }
0x5f: {  	_ =	shalt  }
0x60: {  	_ =	shalt  }
0x61: {  	_ =	shalt  }
0x62: {  	_ =	shalt  }
0x63: {  	_ =	shalt  }
0x64: {  	_ =	shalt  }
0x65: {  	_ =	shalt  }
0x66: {  	_ =	shalt  }
0x67: {  	_ =	shalt  }
0x68: {  	_ =	shalt  }
0x69: {  	_ =	shalt  }
0x6a: {  	_ =	shalt  }
0x6b: {  	_ =	shalt  }
0x6c: {  	_ =	shalt  }
0x6d: {  	_ =	shalt  }
0x6e: {  	_ =	shalt  }
0x6f: {  	_ =	shalt  }
0x70: {  	_ =	shalt  }
0x71: {  	_ =	shalt  }
0x72: {  	_ =	shalt  }
0x73: {  	_ =	shalt  }
0x74: {  	_ =	shalt  }
0x75: {  	_ =	shalt  }
0x76: {  	_ =	shalt  }
0x77: {  	_ =	shalt  }
0x78: {  	_ =	shalt  }
0x79: {  	_ =	shalt  }
0x7a: {  	_ =	shalt  }
0x7b: {  	_ =	shalt  }
0x7c: {  	_ =	shalt  }
0x7d: {  	_ =	shalt  }
0x7e: {  	_ =	shalt  }
0x7f: {  	_ =	shalt  }
0x80: {  	_ =	shalt  }
0x81: {  	_ =	shalt  }
0x82: {  	_ =	shalt  }
0x83: {  	_ =	shalt  }
0x84: {  	_ =	shalt  }
0x85: {  	_ =	shalt  }
0x86: {  	_ =	shalt  }
0x87: {  	_ =	shalt  }
.Lfunc_end0:
.L_simem_size_0:
called_computation_lowered:
.L_overlay_start_0:
0x88: {  	s2 =	sld [smem:$0x3FD9]  }
0x89: {  	s3 =	sld [smem:$0x3FFE];
	_ =	sdelay $0x1  }
0x8a: {  	s1 =	srdreg.scid  }
0x8b: {  	s0 =	sand.u32 $0x1, s1  }
0x8c: {  	s15 =	sshll.u32 s0, $0xA;
	s2 =	sadd.s32 s3, s2  }
0x8d: {  	s2 =	sadd.s32 s2, s15  }
0x8e: {  	[smem:$0x3FC5] =	sst s2  }
0x8f: {  	_ = 	snop  }
0x90: {  	s16 =	sld [smem:$0x3FD0];
	_ =	sdelay $0x2  }
0x91: {  	s4 =	simm.s32 $0xB;
	s5 =	simm.s32 $0x10;
	s2 =	sld [smem:$0x3FC8]  }
0x92: {  	[smem:s5], [sflag:s4] =	dma.local [hbm:s16], $0x1  }
0x93: {  	_ =	swait.eq [sflag:s4], $0x1  }
0x94: {  	[sflag:s4] =	ssyncset.done $0x0  }
0x95: {  	[sflag:s4] =	ssyncadd.s32 $0xFFFFFFFF  }
0x96: {  	s17 =	sld [smem:$0x10];
	(tm) =	ssettm $0x1  }
0x97: {  	s18 =	sld [smem:$0x3FFB];
	_ =	sdelay $0x3  }
0x98: {  	_ =	strace s18  }
0x99: {  	s3 =	sld [smem:$0x3FFC];
	_ =	sdelay $0x3  }
0x9a: {  	_ =	strace s3  }
0x9b: {  	s3 =	sld [smem:$0x3FFD];
	_ =	sdelay $0x3  }
0x9c: {  	_ =	strace s3  }
0x9d: {  	_ =	strace $0x8FFFFFFF  }
0x9e: {  	s19 =	sld [smem:$0x3FDB];
	_ =	sdelay $0x1  }
0x9f: {  	s20 =	simm.s32 $_scs_section_size  }
0xa0: {  	s6 =	simm.s32 $_size__tile_overlayer_lowered;
	s7 =	simm.s32 $_tile_overlayer_lowered  }
0xa1: {  	s8 =	simm.s32 $0x1BFF;
	s21 =	sshll.u32 s7, $0x1;
	s5 =	sadd.s32 s20, s19  }
0xa2: {  	s22 =	simm.s32 $0x0;
	s6 =	sshll.u32 s6, $0x1;
	s7 =	sadd.s32 s21, s5  }
0xa3: {  	[timem:s22], [sflag:s8] =	dma.local [hbm:s7], s6  }
0xa4: {  	_ =	swait.ge [sflag:s8], s6  }
0xa5: {  	s6 =	ssub.s32 $0x0, s6;
	[sflag:s8] =	ssyncset.done $0x0  }
0xa6: {  	[sflag:s8] =	ssyncadd.s32 s6;
	_ =	sdelay $0x1  }
0xa7: {  	s23 =	simm.s32 $0x1B8B  }
0xa8: {  	_ =	swait.ge [sflag:s23], $0x1  }
0xa9: {  	[sflag:s23] =	ssyncset.done $0x0  }
0xaa: {  	[sflag:s23] =	ssyncadd.s32 $0xFFFFFFFF  }
0xab: {  	s6 =	sld [smem:$0x0]  }
0xac: {  	s7 =	sand.u32 $0xFFFFFFFE, s1  }
0xad: {  	p0 =	sne.s32 s1, s7  }
0xae: {  	s7 =	sshll.u32 @p0 s7, $0xE  }
0xaf: {  	s7 =	sadd.s32 @p0 $0x11B8D, s7;
	s8 =	sshll.u32 @p0 s6, $0x11  }
0xb0: {  	s7 =	sor.u32 @p0 s8, s7  }
0xb1: {  	[sflag:s7] =	ssyncadd.remote.s32 @p0 $0x1;
	_ =	sdelay $0x1  }
0xb2: {  	s7 =	simm.s32 @p0 $0x1B8D  }
0xb3: {  	_ =	swait.eq @p0 [sflag:s7], $0x1  }
0xb4: {  	[sflag:s7] =	ssyncadd.s32 @p0 $0xFFFFFFFF  }
0xb5: {  	s8 =	sshll.u32 @!p0 s1, $0xE  }
0xb6: {  	s8 =	sor.u32 @!p0 $0x4000, s8;
	s7 =	simm.s32 @!p0 $0x1B8D  }
0xb7: {  	s6 =	sshll.u32 @!p0 s6, $0x11;
	s8 =	sadd.s32 @!p0 $0x11B8D, s8;
	_ =	swait.eq @!p0 [sflag:s7], $0x1  }
0xb8: {  	s6 =	sor.u32 @!p0 s6, s8;
	[sflag:s7] =	ssyncadd.s32 @!p0 $0xFFFFFFFF  }
0xb9: {  	s25 =	simm.s32 $0x1B8E;
	s24 =	sld [smem:$0x3FFE];
	[sflag:s6] =	ssyncadd.remote.s32 @!p0 $0x1  }
0xba: {  	s26 =	simm.s32 $execute0_lowered;
	[smem:$0x3FD2] =	sst s25  }
0xbb: {  	s7 =	sshll.u32 s26, $0x1;
	_ =	strace $0x8000004F;
	[dreg:$0x1] =	wrdreg $0xFFFFFFFF  }
0xbc: {  	s28 =	simm.s32 $_size_execute0_lowered;
	s5 =	sadd.s32 s5, s7;
	[dreg:$0x0] =	wrdreg $0x0  }
0xbd: {  	s7 =	sshll.u32 s28, $0x1;
	[dreg:$0x2] =	wrdreg s5  }
0xbe: {  	[dreg:$0x3] =	wrdreg s7  }
0xbf: {  	[dreg:$0x4] =	wrdreg $0xC0  }
0xc0: {  	_ =	task [dreg:s22], $0x5FFFF  }
0xc1: {  	[dreg:$0x1] =	wrdreg $0xFFFFFFFF  }
0xc2: {  	[dreg:$0x0] =	wrdreg $0x60  }
0xc3: {  	[dreg:$0x2] =	wrdreg s2  }
0xc4: {  	[dreg:$0x3] =	wrdreg s17  }
0xc5: {  	[dreg:$0x4] =	wrdreg s24  }
0xc6: {  	[dreg:$0x5] =	wrdreg $0x9  }
0xc7: {  	_ =	task.clear_ibuf [dreg:s22], $0x6FFFF;
	_ =	strace $0x9000004F  }
0xc8: {  	s29 =	simm.s32 $0x9;
	_ =	strace $0x80000051  }
0xc9: {  	_ =	swait.ge [sflag:s29], $0x1  }
0xca: {  	[sflag:s29] =	ssyncadd.s32 $0xFFFFFFFF  }
0xcb: {  	_ =	strace $0x90000051  }
0xcc: {  	_ =	sfence  }
0xcd: {  	s30 =	sld [smem:$0x0];
	_ =	sdelay $0x2  }
0xce: {  	s31 =	sshll.u32 s1, $0xD;
	s1 =	sshrl.u32 s1, $0x2  }
0xcf: {  	s4 =	sand.u32 $0x4000, s31;
	s1 =	sadd.s32 s1, s30  }
0xd0: {  	s0 =	sor.u32 s4, s0;
	s1 =	sshll.u32 s1, $0x11  }
0xd1: {  	s0 =	sor.u32 s1, s0  }
0xd2: {  	s0 =	sadd.s32 $0x8F2B, s0  }
0xd3: {  	[sflag:s0] =	ssyncadd.remote.s32 $0x1  }
0xd4: {  	_ =	sfence.sel $0xFFFF  }
0xd5: {  	[dreg:$0x0] =	wrdreg $0xFFFFFFFF;
	(pc) =	sbr.abs _section_cstart, $3  }
0xd6: {  	[dreg:$0x1] =	wrdreg $0xFFFFFFFF  }
0xd7: {  	_ =	task.clear_ibuf [dreg:s22], $0x2FFFF;
	_ =	strace $0x9FFFFFFF  }
0xd8: {  	(tm) =	ssettm $0x7FFFFFFF  }
0xd9: {  	_ =	shalt  }
tec
execute0_lowered:
.L_overlay_start_1:
0x0: {  	(tag) =	ssettag $0x1  }
0x1: {  	s1 =	srdreg.scid;
	s2 =	rddreg [dreg:$0x0]  }
0x2: {  	s0 =	stileid.u32;
	s3 =	rddreg [dreg:$0x1]  }
0x3: {  	s8 =	rddreg [dreg:$0x2];
	s5 =	simm.s32 $0x1;
	s1 =	sshll.u32 s1, $0x5  }
0x4: {  	s9 =	simm.s32 $0x1;
	s4 =	sshll.u32 s0, $0x6;
	s1 =	sand.u32 $0x20, s1  }
0x5: {  	s10 =	simm.s32 $0x3;
	s13 =	simm.s32 $0x0;
	s4 =	sor.u32 s4, s1  }
0x6: {  	s12 =	simm.s32 $0x0;
	s1 =	rddreg [dreg:$0x3];
	s7 =	ssub.s32 $0x640, s4  }
.Ltmp0:
0x7: {  	_ =	strace $0x80000050;
	s6 =	sand.u32 $0x3E0, s7;
	(pc) =	sbr.rel .LBB2_1-.Ltmp0, $4  }
0x8: {  	s8 =	sadd.s32 $0x200, s8;
	[sflag:s5] =	ssyncpa.u1 $0x0;
	p0 =	sne.s32 s6, $0x0  }
0x9: {  	s7 =	sshrl.u32 s7, $0xA;
	s6 =	simm.s32 $0x2;
	s9 =	simm.s32 @!p0 $0x0  }
0xa: {  	s11 =	smov.u32 s4;
	[sflag:s6] =	ssyncpa.u1 $0x0;
	s7 =	sadd.s32 s9, s7  }
0xb: {  	vm0 =	vmmov $0xffff;
	[sflag:s10] =	ssyncpa.u1 $0x0;
	s10 =	simm.s32 $0x0;
	s9 =	sadd.s32 $0x1, s7  }
.LBB2_5:
0xc: {  	s15 =	sadd.s32 $0x400, s11  }
0xd: {  	p1 =	sgt.s32 s15, $0x63F  }
0xe: {  	s15 =	smov.u32 @p1 s4;
	p1 =	sne.s32 s12, s9  }
.Ltmp1:
0xf: {  	p0 =	slt.u32 s12, $0x2;
	(pc) =	sbr.rel @!p1 .LBB2_6-.Ltmp1, $4  }
0x10: {  	s14 =	simm.s32 @!p0 $0x3  }
0x11: {  	_ =	swait.ge @!p0 [sflag:s14], $0x20  }
0x12: {  	s16 =	sadd.s32 $0x1, s12;
	s13 =	smov.u32 s11;
	[sflag:s14] =	ssyncset.done @!p0 $0x0  }
0x13: {  	s12 =	smov.u32 s16;
	s11 =	smov.u32 s15;
	[sflag:s14] =	ssyncadd.s32 @!p0 $0xFFFFFFE0  }
.LBB2_1:
0x14: {  	p0 =	sge.u32 s12, s7  }
0x15: {  	s14 =	sxor.u32 @!p0 $0xFFFFFFFF, s12  }
0x16: {  	s31 =	sadd.s32 $0xFFFFFFFF, s12;
	s15 =	sshrl.u32 @!p0 s11, $0x3;
	s14 =	sshll.u32 @!p0 s14, $0x5  }
0x17: {  	s16 =	sand.u32 @!p0 $0x7, s11;
	s15 =	sadd.s32 @!p0 s3, s15;
	s14 =	sand.u32 @!p0 $0x20, s14  }
0x18: {  	[tilespmem:s14], [sflag:$0x2] =	stream.linear.gather @!p0 [hbm4b:s15+s16], $0x20, $0x38;
	[tilespmem:$0x80] =	vst v63  }
0x19: {  	p0 =	sge.u32 s31, s7  }
.Ltmp2:
0x1a: {  	_ = 	snop;
	(pc) =	sbr.rel @p0 .LBB2_5-.Ltmp2, $1  }
0x1b: {  	_ =	sdelay $0x3  }
0x1c: {  	_ =	swait.ge [sflag:s6], $0x20;
	s14 =	sshll.u32 s12, $0x5;
	s16 =	simm.s32 $0x0  }
0x1d: {  	p0 =	por $0x1, $0x1;
	[sflag:s6] =	ssyncset.done $0x0;
	s15 =	sand.u32 $0x20, s14  }
0x1e: {  	[sflag:s6] =	ssyncadd.s32 $0xFFFFFFE0;
	(ifvalue) =	ssetifvalue $0x7FFFFFFF;
	s14 =	sor.u32 $0x40, s15  }
.LBB2_3:
0x1f: {  	s17 =	sadd.s32 s16, s15  }
0x20: {  	v0 =	vld.msk [tilespmem:s17+$0x0 ss:$0x1], $0xffff;
	_ =	sdelay $0x4  }
0x21: {  	vm1 =	veq.s32 v0, $0x80000000;
	v1 =	vshrl.u32 v0, $0xC  }
0x22: {  	v2 =	vshll.u32 v0, $0xF;
	v3 =	vshll.u32 v0, $0xA;
	v0 =	vshll.u32 v0, $0x2  }
0x23: {  	v2 =	vand.u32 $0x78000, v2;
	v3 =	vand.u32 $0x4000, v3;
	v0 =	vand.u32 $0x3F80, v0  }
0x24: {  	v1 =	vand.u32 $0x7F, v1;
	v2 =	vor.u32 v3, v2;
	v0 =	vsel vm1, $0xFFFFFF80, v0  }
0x25: {  	v1 =	vsel vm1, $0xFFFFFFFF, v1;
	v2 =	vsel vm1, $0xFFFF4000, v2;
	v62 =	vand.u32 $0xFFFFFC00, v0  }
0x26: {  	v63 =	vand.u32 $0xFFFFFC00, v1;
	v2 =	vadd.s32 v62, v2  }
0x27: {  	v0 =	vand.u32 $0x380, v0;
	v2 =	vadd.s32 v63, v2  }
0x28: {  	v1 =	vand.u32 $0x7F, v1;
	v0 =	vor.u32 v0, v2  }
0x29: {  	p1 =	por p0, p0;
	v0 =	vor.u32 v1, v0  }
.Ltmp3:
0x2a: {  	_ = 	snop;
	(pc) =	sbr.rel @p1 .LBB2_3-.Ltmp3, $4  }
0x2b: {  	_ = 	snop  }
0x2c: {  	s31 =	sadd.s32 s16, s14  }
0x2d: {  	s16 =	simm.s32 $0x10;
	p0 =	por $0x0, $0x0;
	(ifvalue) =	ssetifvalue $0x7FFFFFFF  }
0x2e: {  	[tilespmem:s31], [sflag:$0x1] =	stream.indirect_vreg.gather [hbm4b:s2+s10], $0x1, v0, vm0, $0x4038;
	[tilespmem:$0x80] =	vst v63  }
.Ltmp4:
0x2f: {  	(pc) =	sbr.rel .LBB2_5-.Ltmp4, $4  }
0x30: {  	_ =	swait.ge [sflag:s5], $0x20  }
0x31: {  	s15 =	sshrl.u32 s13, $0x3;
	[sflag:s5] =	ssyncset.done $0x0  }
0x32: {  	s31 =	sand.u32 $0x7, s13;
	s15 =	sadd.s32 s8, s15;
	[sflag:s5] =	ssyncadd.s32 $0xFFFFFFE0  }
0x33: {  	[hbm4b:s15+s31] =	stream.linear.scatter [tilespmem:s14], [sflag:$0x3], $0x20, $0x38;
	[tilespmem:$0x80] =	vst v63  }
.LBB2_6:
0x34: {  	_ =	sfence.sel $0x180000  }
0x35: {  	s2 =	simm.s32 $0x2;
	[bflag:$0x0] =	sbarrier.arrive $0xFFFF  }
0x36: {  	s30 =	simm.s32 $0x3;
	[sflag:s2] =	ssyncpa.u1 $0x1  }
0x37: {  	s31 =	simm.s32 $0x1;
	[sflag:s30] =	ssyncpa.u1 $0x1  }
0x38: {  	[sflag:s31] =	ssyncpa.u1 $0x1  }
0x39: {  	p0 =	sne.s32 s0, $0x0;
	_ =	strace $0x90000050  }
0x3a: {  	s0 =	sadd.s32 @!p0 $0x100000, s1;
	[bflag:$0x2] =	sbarrier.arrive $0xFFFF  }
0x3b: {  	[sflag:s0] =	ssyncadd.tile.s32 @!p0 $0x1;
	_ =	shalt  }
.Lfunc_end2:
_tile_overlayer_lowered:
.L_overlay_start_2:
0x3c: {  	(tag) =	ssettag $0x2  }
0x3d: {  	s0 =	rddreg [dreg:$0x0];
	s2 =	stileid.u32  }
0x3e: {  	s1 =	rddreg [dreg:$0x1];
	p0 =	sne.s32 s2, $0x0  }
0x3f: {  	s3 =	rddreg [dreg:$0x2];
	[bflag:$0x3] =	sbarrier.arrive $0xFFFF;
	s2 =	simm.s32 @!p0 $0x1C01  }
0x40: {  	[timem:s3], [sflag:s2] =	dma.local @!p0 [hbm:s0], s1  }
0x41: {  	s0 =	simm.s32 @!p0 $0x1  }
0x42: {  	_ =	swait.ge @!p0 [sflag:s0], s1  }
0x43: {  	s1 =	ssub.s32 @!p0 $0x0, s1;
	[sflag:s0] =	ssyncset.done @!p0 $0x0  }
0x44: {  	[sflag:s0] =	ssyncadd.s32 @!p0 s1  }
0x45: {  	[bflag:$0x3] =	sbarrier.arrive $0xFFFF  }
0x46: {  	_ =	shalt  }

</sc_bundles>
